<compile_context>
chip_gen: v7x
topology: tpu7x:2x2x1
jax: 0.10.2.dev20260603
libtpu: 0.0.44.dev20260713+nightly
codegen_flags: <defaults>
</compile_context>

<pallas_src>
import functools

import jax
import jax.numpy as jnp
from jax import lax
from jax.experimental import pallas as pl
from jax.experimental.pallas import tpu as pltpu
from jax.experimental.pallas import tpu_sc as plsc

_NC, _NS, _LANES = 2, 16, 16
_NW = _NC * _NS
_KG = 16
_KS = 4
_BE = 8192
_BN = 5000

_SC_PARAMS = pltpu.CompilerParams(use_tc_tiling_on_sc=False)


def _mult8(x):
    return pl.multiple_of(x, 8)


def _sc_gather(z16, gidx2):
    n_pad = z16.shape[0]
    per_tile_n = n_pad // _NS
    gpad = gidx2.shape[0]
    rows_per_w = gpad // _NW
    ngroups = rows_per_w // _KG
    mesh = plsc.VectorSubcoreMesh(core_axis_name="c", subcore_axis_name="s")

    @functools.partial(
        pl.kernel,
        out_type=jax.ShapeDtypeStruct((gpad * 128, 16), jnp.float32),
        mesh=mesh,
        compiler_params=_SC_PARAMS,
        scratch_types=[
            pltpu.VMEM((_KG, 128), jnp.int32),
            pltpu.VMEM((_KG * 128, 16), jnp.float32),
            pltpu.VMEM_SHARED((n_pad, 16), jnp.float32),
            pltpu.SemaphoreType.DMA,
        ],
    )
    def k(z_hbm, gidx_hbm, out_hbm, idx_v, rows_v, ztab, sem):
        s = lax.axis_index("s")
        wid = s * _NC + lax.axis_index("c")
        base_row = wid * rows_per_w
        my_nodes = pl.ds(_mult8(s * per_tile_n), per_tile_n)
        pltpu.sync_copy(z_hbm.at[my_nodes], ztab.at[my_nodes])
        plsc.subcore_barrier()

        def body(g, carry):
            gbase = _mult8(base_row + g * _KG)
            pltpu.sync_copy(gidx_hbm.at[pl.ds(gbase, _KG)], idx_v)
            cps = [
                pltpu.async_copy(
                    ztab.at[idx_v.at[b]], rows_v.at[pl.ds(b * 128, 128)], sem
                )
                for b in range(_KG)
            ]
            for cp in cps:
                cp.wait()
            pltpu.sync_copy(
                rows_v, out_hbm.at[pl.ds(_mult8(gbase * 128), _KG * 128)]
            )
            return carry

        lax.fori_loop(0, ngroups, body, 0)

    return k(z16, gidx2)


def _sc_scatter(msg, tidx2, zeros32, hrows, wrows):
    n_pad = zeros32.shape[0]
    per_tile_n = n_pad // _NS
    mesh = plsc.VectorSubcoreMesh(core_axis_name="c", subcore_axis_name="s")

    @functools.partial(
        pl.kernel,
        out_type=(
            jax.ShapeDtypeStruct((_NC * n_pad, 32), jnp.float32),
            jax.ShapeDtypeStruct((_NC * n_pad, 32), jnp.float32),
        ),
        mesh=mesh,
        compiler_params=_SC_PARAMS,
        scratch_types=[
            pltpu.VMEM((_KS, 128), jnp.int32),
            pltpu.VMEM((_KS * 128, 32), jnp.float32),
            pltpu.VMEM_SHARED((n_pad, 32), jnp.float32),
        ],
    )
    def k(msg_hbm, tidx_hbm, z_hbm, outh_hbm, outw_hbm, idx_v, msg_v, accum):
        c = lax.axis_index("c")
        s = lax.axis_index("s")
        my_nodes = pl.ds(_mult8(s * per_tile_n), per_tile_n)

        def run_phase(row0, rows_per_core, out_hbm):
            pltpu.sync_copy(z_hbm.at[my_nodes], accum.at[my_nodes])
            plsc.subcore_barrier()
            groups_per_core = rows_per_core // _KS
            groups_per_tile = groups_per_core // _NS
            base_g = c * groups_per_core + s * groups_per_tile

            def body(j, carry):
                r = pl.multiple_of(row0 + (base_g + j) * _KS, _KS)
                pltpu.sync_copy(tidx_hbm.at[pl.ds(r, _KS)], idx_v)
                pltpu.sync_copy(
                    msg_hbm.at[pl.ds(pl.multiple_of(r * 128, 512), _KS * 128)],
                    msg_v,
                )
                for b in range(_KS):
                    pltpu.sync_copy(
                        msg_v.at[pl.ds(b * 128, 128)],
                        accum.at[idx_v.at[b]],
                        add=True,
                    )
                return carry

            lax.fori_loop(0, groups_per_tile, body, 0)
            plsc.subcore_barrier()
            pltpu.sync_copy(
                accum.at[my_nodes],
                out_hbm.at[pl.ds(_mult8(c * n_pad + s * per_tile_n), per_tile_n)],
            )
            plsc.subcore_barrier()

        run_phase(0, hrows // _NC, outh_hbm)
        run_phase(hrows, wrows // _NC, outw_hbm)

    return k(msg, tidx2, zeros32)


def _edge_weight_mats(pe, pw):
    w1 = jnp.concatenate([pe["W1"], pw["W1"]], axis=1)
    w1f = jnp.zeros((32, 128), jnp.float32)
    w1f = w1f.at[0:13].set(w1[0:13]).at[0:3].add(w1[26:29])
    w1f = w1f.at[13].set(w1[29]).at[14].set(w1[30]).at[15].set(w1[31])
    w1f = w1f.at[16:29].set(w1[13:26]).at[16:19].add(-w1[26:29])
    w1f = w1f.at[29].set(w1[32]).at[30].set(w1[33])
    b1f = jnp.concatenate([pe["b1"], pw["b1"]])
    w2f = jnp.zeros((128, 40), jnp.float32)
    w2f = w2f.at[0:64, 0:32].set(pe["W2"]).at[64:128, 32:33].set(pw["W2"])
    b2f = jnp.zeros((40,), jnp.float32)
    b2f = b2f.at[0:32].set(pe["b2"]).at[32].set(pw["b2"][0])
    return w1f, b1f, w2f, b2f


def _make_edge_body():
    r = _BE // 8

    def _edge_body(zs_ref, zt_ref, w1_ref, b1_ref, w2_ref, b2_ref, out_ref):
        zsp = zs_ref[...]
        ztp = zt_ref[...]

        def R(x, k):
            return pltpu.roll(x, (-k) % 128, axis=1)

        dp = zsp - ztp
        sq = dp * dp
        dists = sq + R(sq, 1) + R(sq, 2)
        s1, s2 = R(zsp, 1), R(zsp, 2)
        t1, t2 = R(ztp, 1), R(ztp, 2)
        ca = s1 * t2 - s2 * t1
        cb = s2 * ztp - zsp * t2
        cc = zsp * t1 - s1 * ztp
        acr = jnp.sqrt(ca * ca + cb * cb + cc * cc)
        li = lax.broadcasted_iota(jnp.int32, zsp.shape, 1) % 16
        qs = jnp.where(li == 13, R(dists, -13), zsp)
        qs = jnp.where(li == 14, R(ca, -11), qs)
        qs = jnp.where(li == 15, R(cb, -12), qs)
        qt = jnp.where(li == 13, R(cc, -10), ztp)
        qt = jnp.where(li == 14, R(acr, -11), qt)
        inp = jnp.concatenate(
            [
                jnp.concatenate(
                    [q[:, 16 * j : 16 * (j + 1)] for j in range(8)], axis=0
                )
                for q in (qs, qt)
            ],
            axis=1,
        )
        h = jnp.tanh(
            jnp.dot(inp, w1_ref[0], preferred_element_type=jnp.float32) + b1_ref[0]
        )
        mw = jnp.dot(h, w2_ref[0], preferred_element_type=jnp.float32) + b2_ref[0]
        msg = mw[:, 0:32] * jax.nn.sigmoid(mw[:, 32:33])
        cols = []
        for k in range(4):
            ak = msg[k * r : (k + 1) * r, :]
            bk = msg[(4 + k) * r : (5 + k) * r, :]
            cols.append(jnp.stack([ak, bk], axis=1).reshape(2 * r, 32))
        out_ref[...] = jnp.concatenate(cols, axis=1)

    return _edge_body


def _tc_edge(gout, hpad, wpad, e_h, e_w, params):
    nh, nw = hpad // _BE, wpad // _BE
    w1h, b1h, w2h, b2h = _edge_weight_mats(params["edge"], params["weight"])
    w1w, b1w, w2w, b2w = _edge_weight_mats(params["edge_world"], params["weight_world"])
    w1s = jnp.stack([w1h, w1w])
    b1s = jnp.stack([b1h, b1w])[:, None, :]
    w2s = jnp.stack([w2h, w2w])
    b2s = jnp.stack([b2h, b2w])[:, None, :]

    def widx(i):
        return jnp.where(i < nh, 0, 1)

    return pl.pallas_call(
        _make_edge_body(),
        grid=(nh + nw,),
        compiler_params=pltpu.CompilerParams(
            dimension_semantics=("parallel",)
        ),
        in_specs=[
            pl.BlockSpec((_BE // 8, 128), lambda i: (jnp.where(i < nh, i, i + nh), 0)),
            pl.BlockSpec((_BE // 8, 128), lambda i: (jnp.where(i < nh, i + nh, i + nh + nw), 0)),
            pl.BlockSpec((1, 32, 128), lambda i: (widx(i), 0, 0)),
            pl.BlockSpec((1, 1, 128), lambda i: (widx(i), 0, 0)),
            pl.BlockSpec((1, 128, 40), lambda i: (widx(i), 0, 0)),
            pl.BlockSpec((1, 1, 40), lambda i: (widx(i), 0, 0)),
        ],
        out_specs=pl.BlockSpec((_BE // 4, 128), lambda i: (i, 0)),
        out_shape=jax.ShapeDtypeStruct(((hpad + wpad) // 4, 128), jnp.float32),
    )(gout, gout, w1s, b1s, w2s, b2s)


def _node_weight_mats(pn):
    w1f = jnp.zeros((80, 64), jnp.float32)
    w1f = w1f.at[0:13].set(pn["W1"][0:13])
    w1f = w1f.at[16:48].set(pn["W1"][13:45])
    w1f = w1f.at[48:80].set(pn["W1"][45:77])
    w2f = jnp.zeros((64, 16), jnp.float32)
    w2f = w2f.at[:, 0:13].set(pn["W2"])
    b2f = jnp.zeros((16,), jnp.float32).at[0:13].set(pn["b2"])
    return w1f, pn["b1"][None, :], w2f, b2f[None, :]


def _node_body(z_ref, h_ref, w_ref, w1_ref, b1_ref, w2_ref, b2_ref, out_ref):
    inp = jnp.concatenate(
        [z_ref[...], h_ref[0] + h_ref[1], w_ref[0] + w_ref[1]], axis=1
    )
    h = jnp.tanh(
        jnp.dot(inp, w1_ref[...], preferred_element_type=jnp.float32) + b1_ref[...]
    )
    out_ref[...] = (
        jnp.dot(h, w2_ref[...], preferred_element_type=jnp.float32) + b2_ref[...]
    )


def _tc_node(z16, aggh3, aggw3, n_nodes, params):
    nb = n_nodes // _BN
    w1f, b1f, w2f, b2f = _node_weight_mats(params["node"])
    return pl.pallas_call(
        _node_body,
        grid=(nb,),
        compiler_params=pltpu.CompilerParams(
            dimension_semantics=("parallel",)
        ),
        in_specs=[
            pl.BlockSpec((_BN, 16), lambda i: (i, 0)),
            pl.BlockSpec((2, _BN, 32), lambda i: (0, i, 0)),
            pl.BlockSpec((2, _BN, 32), lambda i: (0, i, 0)),
            pl.BlockSpec((80, 64), lambda i: (0, 0)),
            pl.BlockSpec((1, 64), lambda i: (0, 0)),
            pl.BlockSpec((64, 16), lambda i: (0, 0)),
            pl.BlockSpec((1, 16), lambda i: (0, 0)),
        ],
        out_specs=pl.BlockSpec((_BN, 16), lambda i: (i, 0)),
        out_shape=jax.ShapeDtypeStruct((n_nodes, 16), jnp.float32),
    )(z16, aggh3, aggw3, w1f, b1f, w2f, b2f)


def _spread(n, n_nodes):
    return jnp.arange(n, dtype=jnp.int32) % n_nodes


def kernel(z_h, edge_index_h_h, edge_index_world, params):
    n_nodes = z_h.shape[1]
    e_h = edge_index_h_h.shape[1]
    e_w = edge_index_world.shape[1]
    n_pad = -(-n_nodes // (_NS * 8)) * (_NS * 8)
    unit = 32768
    hpad = -(-e_h // unit) * unit
    wpad = -(-e_w // unit) * unit
    assert hpad % _BE == 0 and wpad % _BE == 0
    assert hpad % (_KS * 128 * _NW) == 0 and wpad % (_KS * 128 * _NW) == 0

    z16 = jnp.pad(z_h[0], ((0, n_pad - n_nodes), (0, 3)))
    sh = edge_index_h_h[0].astype(jnp.int32)
    th = edge_index_h_h[1].astype(jnp.int32)
    sw = edge_index_world[0].astype(jnp.int32)
    tw = edge_index_world[1].astype(jnp.int32)

    ph = n_nodes + _spread(hpad - e_h, n_pad - n_nodes)
    pw = n_nodes + _spread(wpad - e_w, n_pad - n_nodes)
    shp = jnp.concatenate([sh, ph])
    thp = jnp.concatenate([th, ph])
    swp = jnp.concatenate([sw, pw])
    twp = jnp.concatenate([tw, pw])

    gidx2 = jnp.concatenate([shp, thp, swp, twp]).reshape(-1, 128)
    assert gidx2.shape[0] % (_NW * _KG) == 0
    gout = _sc_gather(z16, gidx2).reshape(-1, 128)

    msgp = _tc_edge(gout, hpad, wpad, e_h, e_w, params)

    tidx2 = jnp.concatenate([thp, twp]).reshape(-1, 128)
    zeros32 = jnp.zeros((n_pad, 32), jnp.float32)
    aggh2, aggw2 = _sc_scatter(
        msgp.reshape(-1, 32), tidx2, zeros32, hpad // 128, wpad // 128
    )

    out16 = _tc_node(
        z16, aggh2.reshape(2, n_pad, 32), aggw2.reshape(2, n_pad, 32),
        n_nodes, params,
    )
    return out16[:, 0:13][None]

# --- scband reference (transcript-rebuilt; emitter-appended) ---
"""Pipeline reference for scband-odefunc-45114336477555 (READ-ONLY COPY).

The authoritative reference and input builder live on the scoring server;
editing this copy changes nothing except your own understanding.
"""

import jax, jax.numpy as jnp
import numpy as np

N = 50000
E = 1600000
EW = 800000
FD = 13
MD = 32
HD = 64
ED = 8


def _init_mlp(key, din, dh, dout):
    k1, k2 = jax.random.split(key)
    return {
        'W1': jax.random.normal(k1, (din, dh), dtype=jnp.float32) * 0.05,
        'b1': jnp.zeros((dh,), dtype=jnp.float32),
        'W2': jax.random.normal(k2, (dh, dout), dtype=jnp.float32) * 0.05,
        'b2': jnp.zeros((dout,), dtype=jnp.float32),
    }


def _mlp(x, p):
    return jnp.tanh(x @ p['W1'] + p['b1']) @ p['W2'] + p['b2']


def setup_inputs(seed: int = 0) -> dict:
    key = jax.random.key(seed)
    ks = jax.random.split(key, 8)
    z_h = jax.random.normal(ks[0], (1, N, FD), dtype=jnp.float32)
    edge_index_h_h = jax.random.randint(ks[1], (2, E), 0, N, dtype=jnp.int64)
    edge_index_world = jax.random.randint(ks[2], (2, EW), 0, N, dtype=jnp.int64)
    params = {
        'edge': _init_mlp(ks[3], 2 * FD + ED, HD, MD),
        'weight': _init_mlp(ks[4], 2 * FD + ED, HD, 1),
        'edge_world': _init_mlp(ks[5], 2 * FD + ED, HD, MD),
        'weight_world': _init_mlp(ks[6], 2 * FD + ED, HD, 1),
        'node': _init_mlp(ks[7], FD + 2 * MD, HD, FD),
    }
    return {'z_h': z_h, 'edge_index_h_h': edge_index_h_h,
            'edge_index_world': edge_index_world, 'params': params}


def _edge_features(z_b, ei):
    s, t = ei[0], ei[1]
    pos_s = z_b[s, 0:3]
    pos_t = z_b[t, 0:3]
    vel_s = z_b[s, 3:6]
    vel_t = z_b[t, 3:6]
    diff = pos_s - pos_t
    dist = (diff ** 2).sum(-1, keepdims=True)
    cr = jnp.cross(vel_s, vel_t)
    acr = jnp.linalg.norm(cr, axis=-1, keepdims=True)
    return jnp.concatenate([diff, dist, cr, acr], axis=-1)


def reference(z_h, edge_index_h_h, edge_index_world, params):
    # GNN_h forward (batch size 1; edge lists of length 1 in original torch code)
    z_b = z_h[0]
    # normal edges
    s, t = edge_index_h_h[0], edge_index_h_h[1]
    e_hh = _edge_features(z_b, edge_index_h_h)
    inp_e = jnp.concatenate([z_b[s], z_b[t], e_hh], axis=-1)
    m_hh = _mlp(inp_e, params['edge'])
    w_hh = jax.nn.sigmoid(_mlp(inp_e, params['weight']))
    m_agg_h = jax.ops.segment_sum(w_hh * m_hh, t, num_segments=N)
    # world edges
    sw, tw = edge_index_world[0], edge_index_world[1]
    e_hw = _edge_features(z_b, edge_index_world)
    inp_w = jnp.concatenate([z_b[sw], z_b[tw], e_hw], axis=-1)
    m_hw = _mlp(inp_w, params['edge_world'])
    w_hw = jax.nn.sigmoid(_mlp(inp_w, params['weight_world']))
    m_agg_w = jax.ops.segment_sum(w_hw * m_hw, tw, num_segments=N)
    # node update
    input_node = jnp.concatenate([z_b, m_agg_h, m_agg_w], axis=-1)
    delta_z_h = _mlp(input_node, params['node'])
    return delta_z_h[None]

if __name__ == "__main__":
    import jax
    _d = setup_inputs()
    print(jax.jit(kernel)(*tuple(_d.values())))

</pallas_src>

<mosaic_0001>
#map = affine_map<(d0, d1) -> (0, 0)>
module attributes {stable_mosaic.version = 14 : i64} {
  func.func @k(%arg0: i32, %arg1: i32, %arg2: memref<2424832x32xf32, #tpu.memory_space<hbm>>, %arg3: memref<18944x128xi32, #tpu.memory_space<hbm>>, %arg4: memref<50048x32xf32, #tpu.memory_space<hbm>>, %arg5: memref<100096x32xf32, #tpu.memory_space<hbm>>, %arg6: memref<100096x32xf32, #tpu.memory_space<hbm>>, %arg7: memref<4x128xi32, #tpu.memory_space<vmem>>, %arg8: memref<512x32xf32, #tpu.memory_space<vmem>>, %arg9: memref<50048x32xf32, #tpu.memory_space<vmem_shared>>) attributes {dimension_semantics = [#tpu.dimension_semantics<core_parallel>, #tpu.dimension_semantics<subcore_parallel>], iteration_bounds = array<i64: 2, 16>, scalar_prefetch = 0 : i64, scratch_operands = 3 : i64, tpu.core_type = #tpu.core_type<sc_vector_subcore>, window_params = [{transform_indices = #map}, {transform_indices = #map}, {transform_indices = #map}, {transform_indices = #map}, {transform_indices = #map}]} {
    %mul3A = arith.constant 3128 : i32
    %mul3A_0 = arith.muli %arg1, %mul3A : i32
    %multiple_of3A = tpu.assume_multiple %mul3A_0, 8 : i32
    "tpu.region"() ({
      %run_scoped3A = tpu.sem_alloc : memref<!tpu.dma_semaphore, #tpu.memory_space<semaphore_mem>>
      %dma_start3A = arith.constant 0 : i32
      %dma_start3A_38 = tpu.memref_slice %arg9[%multiple_of3A, %dma_start3A] : memref<50048x32xf32, #tpu.memory_space<vmem_shared>> -> memref<3128x32xf32, #tpu.memory_space<vmem_shared>>
      %dma_start3A_39 = arith.constant 0 : i32
      %dma_start3A_40 = tpu.memref_slice %arg4[%multiple_of3A, %dma_start3A_39] : memref<50048x32xf32, #tpu.memory_space<hbm>> -> memref<3128x32xf32, #tpu.memory_space<hbm>>
      tpu.enqueue_dma source(%dma_start3A_40 : memref<3128x32xf32, #tpu.memory_space<hbm>>) target(%dma_start3A_38 : memref<3128x32xf32, #tpu.memory_space<vmem_shared>>) target_semaphore(%run_scoped3A : memref<!tpu.dma_semaphore, #tpu.memory_space<semaphore_mem>>)
      %dma_wait3A = arith.constant 0 : i32
      %dma_wait3A_41 = tpu.memref_slice %arg9[%multiple_of3A, %dma_wait3A] : memref<50048x32xf32, #tpu.memory_space<vmem_shared>> -> memref<3128x32xf32, #tpu.memory_space<vmem_shared>>
      %dma_wait3A_42 = arith.constant 0 : i32
      %dma_wait3A_43 = tpu.memref_slice %arg4[%multiple_of3A, %dma_wait3A_42] : memref<50048x32xf32, #tpu.memory_space<hbm>> -> memref<3128x32xf32, #tpu.memory_space<hbm>>
      tpu.wait_dma2 semaphore(%run_scoped3A : memref<!tpu.dma_semaphore, #tpu.memory_space<semaphore_mem>>) src(%dma_wait3A_43 : memref<3128x32xf32, #tpu.memory_space<hbm>>) dst(%dma_wait3A_41 : memref<3128x32xf32, #tpu.memory_space<vmem_shared>>)
      tpu.yield
    }) : () -> ()
    %barrier3A = arith.constant 0 : index
    tpu.barrier barrier_id(%barrier3A)
    %mul3A_1 = arith.constant 1568 : i32
    %mul3A_2 = arith.muli %arg0, %mul3A_1 : i32
    %mul3A_3 = arith.constant 98 : i32
    %mul3A_4 = arith.muli %arg1, %mul3A_3 : i32
    %add3A = arith.addi %mul3A_2, %mul3A_4 : i32
    %scan3A = arith.constant 0 : i32
    %scan3A_5 = arith.constant 0 : i32
    %scan3A_6 = arith.constant 98 : i32
    %scan3A_7 = arith.addi %scan3A_5, %scan3A_6 : i32
    %scan3A_8 = arith.constant 1 : i32
    scf.for %scan3A_38 = %scan3A_5 to %scan3A_7 step %scan3A_8  : i32 {
      %add3A_39 = arith.addi %add3A, %scan3A_38 : i32
      %mul3A_40 = arith.constant 4 : i32
      %mul3A_41 = arith.muli %add3A_39, %mul3A_40 : i32
      %add3A_42 = arith.constant 0 : i32
      %add3A_43 = arith.addi %add3A_42, %mul3A_41 : i32
      %multiple_of3A_44 = tpu.assume_multiple %add3A_43, 4 : i32
      "tpu.region"() ({
        %run_scoped3A_51 = tpu.sem_alloc : memref<!tpu.dma_semaphore, #tpu.memory_space<semaphore_mem>>
        %dma_start3A = arith.constant 0 : i32
        %dma_start3A_52 = tpu.memref_slice %arg3[%multiple_of3A_44, %dma_start3A] : memref<18944x128xi32, #tpu.memory_space<hbm>> -> memref<4x128xi32, #tpu.memory_space<hbm>>
        %dma_start3A_53 = arith.constant 0 : i32
        %dma_start3A_54 = tpu.memref_slice %arg3[%multiple_of3A_44, %dma_start3A_53] : memref<18944x128xi32, #tpu.memory_space<hbm>> -> memref<4x128xi32, #tpu.memory_space<hbm>>
        tpu.enqueue_dma source(%dma_start3A_54 : memref<4x128xi32, #tpu.memory_space<hbm>>) target(%arg7 : memref<4x128xi32, #tpu.memory_space<vmem>>) target_semaphore(%run_scoped3A_51 : memref<!tpu.dma_semaphore, #tpu.memory_space<semaphore_mem>>)
        %dma_wait3A = arith.constant 0 : i32
        %dma_wait3A_55 = tpu.memref_slice %arg3[%multiple_of3A_44, %dma_wait3A] : memref<18944x128xi32, #tpu.memory_space<hbm>> -> memref<4x128xi32, #tpu.memory_space<hbm>>
        %dma_wait3A_56 = arith.constant 0 : i32
        %dma_wait3A_57 = tpu.memref_slice %arg3[%multiple_of3A_44, %dma_wait3A_56] : memref<18944x128xi32, #tpu.memory_space<hbm>> -> memref<4x128xi32, #tpu.memory_space<hbm>>
        tpu.wait_dma2 semaphore(%run_scoped3A_51 : memref<!tpu.dma_semaphore, #tpu.memory_space<semaphore_mem>>) src(%dma_wait3A_57 : memref<4x128xi32, #tpu.memory_space<hbm>>) dst(%arg7 : memref<4x128xi32, #tpu.memory_space<vmem>>)
        tpu.yield
      }) : () -> ()
      %mul3A_45 = arith.constant 128 : i32
      %mul3A_46 = arith.muli %multiple_of3A_44, %mul3A_45 : i32
      %multiple_of3A_47 = tpu.assume_multiple %mul3A_46, 512 : i32
      "tpu.region"() ({
        %run_scoped3A_51 = tpu.sem_alloc : memref<!tpu.dma_semaphore, #tpu.memory_space<semaphore_mem>>
        %dma_start3A = arith.constant 0 : i32
        %dma_start3A_52 = tpu.memref_slice %arg2[%multiple_of3A_47, %dma_start3A] : memref<2424832x32xf32, #tpu.memory_space<hbm>> -> memref<512x32xf32, #tpu.memory_space<hbm>>
        %dma_start3A_53 = arith.constant 0 : i32
        %dma_start3A_54 = tpu.memref_slice %arg2[%multiple_of3A_47, %dma_start3A_53] : memref<2424832x32xf32, #tpu.memory_space<hbm>> -> memref<512x32xf32, #tpu.memory_space<hbm>>
        tpu.enqueue_dma source(%dma_start3A_54 : memref<512x32xf32, #tpu.memory_space<hbm>>) target(%arg8 : memref<512x32xf32, #tpu.memory_space<vmem>>) target_semaphore(%run_scoped3A_51 : memref<!tpu.dma_semaphore, #tpu.memory_space<semaphore_mem>>)
        %dma_wait3A = arith.constant 0 : i32
        %dma_wait3A_55 = tpu.memref_slice %arg2[%multiple_of3A_47, %dma_wait3A] : memref<2424832x32xf32, #tpu.memory_space<hbm>> -> memref<512x32xf32, #tpu.memory_space<hbm>>
        %dma_wait3A_56 = arith.constant 0 : i32
        %dma_wait3A_57 = tpu.memref_slice %arg2[%multiple_of3A_47, %dma_wait3A_56] : memref<2424832x32xf32, #tpu.memory_space<hbm>> -> memref<512x32xf32, #tpu.memory_space<hbm>>
        tpu.wait_dma2 semaphore(%run_scoped3A_51 : memref<!tpu.dma_semaphore, #tpu.memory_space<semaphore_mem>>) src(%dma_wait3A_57 : memref<512x32xf32, #tpu.memory_space<hbm>>) dst(%arg8 : memref<512x32xf32, #tpu.memory_space<vmem>>)
        tpu.yield
      }) : () -> ()
      %run_scoped3A = arith.constant 0 : i32
      "tpu.region"() ({
        %run_scoped3A_51 = tpu.sem_alloc : memref<!tpu.dma_semaphore, #tpu.memory_space<semaphore_mem>>
        %dma_start3A = arith.constant 0 : i32
        %dma_start3A_52 = arith.constant 0 : i32
        %dma_start3A_53 = tpu.memref_slice %arg8[%dma_start3A, %dma_start3A_52] : memref<512x32xf32, #tpu.memory_space<vmem>> -> memref<128x32xf32, #tpu.memory_space<vmem>>
        %dma_start3A_54 = arith.constant 0 : i32
        %dma_start3A_55 = tpu.memref_slice %arg7[%run_scoped3A, %dma_start3A_54] : memref<4x128xi32, #tpu.memory_space<vmem>> -> memref<1x128xi32, #tpu.memory_space<vmem>>
        %dma_start3A_56 = tpu.memref_squeeze %dma_start3A_55 : memref<1x128xi32, #tpu.memory_space<vmem>> -> memref<128xi32, #tpu.memory_space<vmem>>
        %dma_start3A_57 = arith.constant 0 : i32
        %dma_start3A_58 = arith.constant 0 : i32
        %dma_start3A_59 = tpu.memref_slice %arg9[%dma_start3A_57, %dma_start3A_58] : memref<50048x32xf32, #tpu.memory_space<vmem_shared>> -> memref<50048x32xf32, #tpu.memory_space<vmem_shared>>
        tpu.enqueue_indirect_dma source(%dma_start3A_53 : memref<128x32xf32, #tpu.memory_space<vmem>>) target(%dma_start3A_59 : memref<50048x32xf32, #tpu.memory_space<vmem_shared>>) offsets(%dma_start3A_56 : memref<128xi32, #tpu.memory_space<vmem>>) semaphore(%run_scoped3A_51 : memref<!tpu.dma_semaphore, #tpu.memory_space<semaphore_mem>>) {add = true}
        %dma_wait3A = arith.constant 0 : i32
        %dma_wait3A_60 = arith.constant 0 : i32
        %dma_wait3A_61 = tpu.memref_slice %arg8[%dma_wait3A, %dma_wait3A_60] : memref<512x32xf32, #tpu.memory_space<vmem>> -> memref<128x32xf32, #tpu.memory_space<vmem>>
        %dma_wait3A_62 = arith.constant 0 : i32
        %dma_wait3A_63 = tpu.memref_slice %arg7[%run_scoped3A, %dma_wait3A_62] : memref<4x128xi32, #tpu.memory_space<vmem>> -> memref<1x128xi32, #tpu.memory_space<vmem>>
        %dma_wait3A_64 = tpu.memref_squeeze %dma_wait3A_63 : memref<1x128xi32, #tpu.memory_space<vmem>> -> memref<128xi32, #tpu.memory_space<vmem>>
        %dma_wait3A_65 = arith.constant 0 : i32
        %dma_wait3A_66 = arith.constant 0 : i32
        %dma_wait3A_67 = tpu.memref_slice %arg9[%dma_wait3A_65, %dma_wait3A_66] : memref<50048x32xf32, #tpu.memory_space<vmem_shared>> -> memref<50048x32xf32, #tpu.memory_space<vmem_shared>>
        tpu.wait_indirect_dma semaphore(%run_scoped3A_51 : memref<!tpu.dma_semaphore, #tpu.memory_space<semaphore_mem>>) src(%dma_wait3A_61 : memref<128x32xf32, #tpu.memory_space<vmem>>) dst(%dma_wait3A_67 : memref<50048x32xf32, #tpu.memory_space<vmem_shared>>)
        tpu.yield
      }) : () -> ()
      %run_scoped3A_48 = arith.constant 1 : i32
      "tpu.region"() ({
        %run_scoped3A_51 = tpu.sem_alloc : memref<!tpu.dma_semaphore, #tpu.memory_space<semaphore_mem>>
        %dma_start3A = arith.constant 128 : i32
        %dma_start3A_52 = arith.constant 0 : i32
        %dma_start3A_53 = tpu.memref_slice %arg8[%dma_start3A, %dma_start3A_52] : memref<512x32xf32, #tpu.memory_space<vmem>> -> memref<128x32xf32, #tpu.memory_space<vmem>>
        %dma_start3A_54 = arith.constant 0 : i32
        %dma_start3A_55 = tpu.memref_slice %arg7[%run_scoped3A_48, %dma_start3A_54] : memref<4x128xi32, #tpu.memory_space<vmem>> -> memref<1x128xi32, #tpu.memory_space<vmem>>
        %dma_start3A_56 = tpu.memref_squeeze %dma_start3A_55 : memref<1x128xi32, #tpu.memory_space<vmem>> -> memref<128xi32, #tpu.memory_space<vmem>>
        %dma_start3A_57 = arith.constant 0 : i32
        %dma_start3A_58 = arith.constant 0 : i32
        %dma_start3A_59 = tpu.memref_slice %arg9[%dma_start3A_57, %dma_start3A_58] : memref<50048x32xf32, #tpu.memory_space<vmem_shared>> -> memref<50048x32xf32, #tpu.memory_space<vmem_shared>>
        tpu.enqueue_indirect_dma source(%dma_start3A_53 : memref<128x32xf32, #tpu.memory_space<vmem>>) target(%dma_start3A_59 : memref<50048x32xf32, #tpu.memory_space<vmem_shared>>) offsets(%dma_start3A_56 : memref<128xi32, #tpu.memory_space<vmem>>) semaphore(%run_scoped3A_51 : memref<!tpu.dma_semaphore, #tpu.memory_space<semaphore_mem>>) {add = true}
        %dma_wait3A = arith.constant 128 : i32
        %dma_wait3A_60 = arith.constant 0 : i32
        %dma_wait3A_61 = tpu.memref_slice %arg8[%dma_wait3A, %dma_wait3A_60] : memref<512x32xf32, #tpu.memory_space<vmem>> -> memref<128x32xf32, #tpu.memory_space<vmem>>
        %dma_wait3A_62 = arith.constant 0 : i32
        %dma_wait3A_63 = tpu.memref_slice %arg7[%run_scoped3A_48, %dma_wait3A_62] : memref<4x128xi32, #tpu.memory_space<vmem>> -> memref<1x128xi32, #tpu.memory_space<vmem>>
        %dma_wait3A_64 = tpu.memref_squeeze %dma_wait3A_63 : memref<1x128xi32, #tpu.memory_space<vmem>> -> memref<128xi32, #tpu.memory_space<vmem>>
        %dma_wait3A_65 = arith.constant 0 : i32
        %dma_wait3A_66 = arith.constant 0 : i32
        %dma_wait3A_67 = tpu.memref_slice %arg9[%dma_wait3A_65, %dma_wait3A_66] : memref<50048x32xf32, #tpu.memory_space<vmem_shared>> -> memref<50048x32xf32, #tpu.memory_space<vmem_shared>>
        tpu.wait_indirect_dma semaphore(%run_scoped3A_51 : memref<!tpu.dma_semaphore, #tpu.memory_space<semaphore_mem>>) src(%dma_wait3A_61 : memref<128x32xf32, #tpu.memory_space<vmem>>) dst(%dma_wait3A_67 : memref<50048x32xf32, #tpu.memory_space<vmem_shared>>)
        tpu.yield
      }) : () -> ()
      %run_scoped3A_49 = arith.constant 2 : i32
      "tpu.region"() ({
        %run_scoped3A_51 = tpu.sem_alloc : memref<!tpu.dma_semaphore, #tpu.memory_space<semaphore_mem>>
        %dma_start3A = arith.constant 256 : i32
        %dma_start3A_52 = arith.constant 0 : i32
        %dma_start3A_53 = tpu.memref_slice %arg8[%dma_start3A, %dma_start3A_52] : memref<512x32xf32, #tpu.memory_space<vmem>> -> memref<128x32xf32, #tpu.memory_space<vmem>>
        %dma_start3A_54 = arith.constant 0 : i32
        %dma_start3A_55 = tpu.memref_slice %arg7[%run_scoped3A_49, %dma_start3A_54] : memref<4x128xi32, #tpu.memory_space<vmem>> -> memref<1x128xi32, #tpu.memory_space<vmem>>
        %dma_start3A_56 = tpu.memref_squeeze %dma_start3A_55 : memref<1x128xi32, #tpu.memory_space<vmem>> -> memref<128xi32, #tpu.memory_space<vmem>>
        %dma_start3A_57 = arith.constant 0 : i32
        %dma_start3A_58 = arith.constant 0 : i32
        %dma_start3A_59 = tpu.memref_slice %arg9[%dma_start3A_57, %dma_start3A_58] : memref<50048x32xf32, #tpu.memory_space<vmem_shared>> -> memref<50048x32xf32, #tpu.memory_space<vmem_shared>>
        tpu.enqueue_indirect_dma source(%dma_start3A_53 : memref<128x32xf32, #tpu.memory_space<vmem>>) target(%dma_start3A_59 : memref<50048x32xf32, #tpu.memory_space<vmem_shared>>) offsets(%dma_start3A_56 : memref<128xi32, #tpu.memory_space<vmem>>) semaphore(%run_scoped3A_51 : memref<!tpu.dma_semaphore, #tpu.memory_space<semaphore_mem>>) {add = true}
        %dma_wait3A = arith.constant 256 : i32
        %dma_wait3A_60 = arith.constant 0 : i32
        %dma_wait3A_61 = tpu.memref_slice %arg8[%dma_wait3A, %dma_wait3A_60] : memref<512x32xf32, #tpu.memory_space<vmem>> -> memref<128x32xf32, #tpu.memory_space<vmem>>
        %dma_wait3A_62 = arith.constant 0 : i32
        %dma_wait3A_63 = tpu.memref_slice %arg7[%run_scoped3A_49, %dma_wait3A_62] : memref<4x128xi32, #tpu.memory_space<vmem>> -> memref<1x128xi32, #tpu.memory_space<vmem>>
        %dma_wait3A_64 = tpu.memref_squeeze %dma_wait3A_63 : memref<1x128xi32, #tpu.memory_space<vmem>> -> memref<128xi32, #tpu.memory_space<vmem>>
        %dma_wait3A_65 = arith.constant 0 : i32
        %dma_wait3A_66 = arith.constant 0 : i32
        %dma_wait3A_67 = tpu.memref_slice %arg9[%dma_wait3A_65, %dma_wait3A_66] : memref<50048x32xf32, #tpu.memory_space<vmem_shared>> -> memref<50048x32xf32, #tpu.memory_space<vmem_shared>>
        tpu.wait_indirect_dma semaphore(%run_scoped3A_51 : memref<!tpu.dma_semaphore, #tpu.memory_space<semaphore_mem>>) src(%dma_wait3A_61 : memref<128x32xf32, #tpu.memory_space<vmem>>) dst(%dma_wait3A_67 : memref<50048x32xf32, #tpu.memory_space<vmem_shared>>)
        tpu.yield
      }) : () -> ()
      %run_scoped3A_50 = arith.constant 3 : i32
      "tpu.region"() ({
        %run_scoped3A_51 = tpu.sem_alloc : memref<!tpu.dma_semaphore, #tpu.memory_space<semaphore_mem>>
        %dma_start3A = arith.constant 384 : i32
        %dma_start3A_52 = arith.constant 0 : i32
        %dma_start3A_53 = tpu.memref_slice %arg8[%dma_start3A, %dma_start3A_52] : memref<512x32xf32, #tpu.memory_space<vmem>> -> memref<128x32xf32, #tpu.memory_space<vmem>>
        %dma_start3A_54 = arith.constant 0 : i32
        %dma_start3A_55 = tpu.memref_slice %arg7[%run_scoped3A_50, %dma_start3A_54] : memref<4x128xi32, #tpu.memory_space<vmem>> -> memref<1x128xi32, #tpu.memory_space<vmem>>
        %dma_start3A_56 = tpu.memref_squeeze %dma_start3A_55 : memref<1x128xi32, #tpu.memory_space<vmem>> -> memref<128xi32, #tpu.memory_space<vmem>>
        %dma_start3A_57 = arith.constant 0 : i32
        %dma_start3A_58 = arith.constant 0 : i32
        %dma_start3A_59 = tpu.memref_slice %arg9[%dma_start3A_57, %dma_start3A_58] : memref<50048x32xf32, #tpu.memory_space<vmem_shared>> -> memref<50048x32xf32, #tpu.memory_space<vmem_shared>>
        tpu.enqueue_indirect_dma source(%dma_start3A_53 : memref<128x32xf32, #tpu.memory_space<vmem>>) target(%dma_start3A_59 : memref<50048x32xf32, #tpu.memory_space<vmem_shared>>) offsets(%dma_start3A_56 : memref<128xi32, #tpu.memory_space<vmem>>) semaphore(%run_scoped3A_51 : memref<!tpu.dma_semaphore, #tpu.memory_space<semaphore_mem>>) {add = true}
        %dma_wait3A = arith.constant 384 : i32
        %dma_wait3A_60 = arith.constant 0 : i32
        %dma_wait3A_61 = tpu.memref_slice %arg8[%dma_wait3A, %dma_wait3A_60] : memref<512x32xf32, #tpu.memory_space<vmem>> -> memref<128x32xf32, #tpu.memory_space<vmem>>
        %dma_wait3A_62 = arith.constant 0 : i32
        %dma_wait3A_63 = tpu.memref_slice %arg7[%run_scoped3A_50, %dma_wait3A_62] : memref<4x128xi32, #tpu.memory_space<vmem>> -> memref<1x128xi32, #tpu.memory_space<vmem>>
        %dma_wait3A_64 = tpu.memref_squeeze %dma_wait3A_63 : memref<1x128xi32, #tpu.memory_space<vmem>> -> memref<128xi32, #tpu.memory_space<vmem>>
        %dma_wait3A_65 = arith.constant 0 : i32
        %dma_wait3A_66 = arith.constant 0 : i32
        %dma_wait3A_67 = tpu.memref_slice %arg9[%dma_wait3A_65, %dma_wait3A_66] : memref<50048x32xf32, #tpu.memory_space<vmem_shared>> -> memref<50048x32xf32, #tpu.memory_space<vmem_shared>>
        tpu.wait_indirect_dma semaphore(%run_scoped3A_51 : memref<!tpu.dma_semaphore, #tpu.memory_space<semaphore_mem>>) src(%dma_wait3A_61 : memref<128x32xf32, #tpu.memory_space<vmem>>) dst(%dma_wait3A_67 : memref<50048x32xf32, #tpu.memory_space<vmem_shared>>)
        tpu.yield
      }) : () -> ()
    }
    %scan3A_9 = arith.constant 98 : i32
    %barrier3A_10 = arith.constant 0 : index
    tpu.barrier barrier_id(%barrier3A_10)
    %mul3A_11 = arith.constant 50048 : i32
    %mul3A_12 = arith.muli %arg0, %mul3A_11 : i32
    %mul3A_13 = arith.constant 3128 : i32
    %mul3A_14 = arith.muli %arg1, %mul3A_13 : i32
    %add3A_15 = arith.addi %mul3A_12, %mul3A_14 : i32
    %multiple_of3A_16 = tpu.assume_multiple %add3A_15, 8 : i32
    "tpu.region"() ({
      %run_scoped3A = tpu.sem_alloc : memref<!tpu.dma_semaphore, #tpu.memory_space<semaphore_mem>>
      %dma_start3A = arith.constant 0 : i32
      %dma_start3A_38 = tpu.memref_slice %arg5[%multiple_of3A_16, %dma_start3A] : memref<100096x32xf32, #tpu.memory_space<hbm>> -> memref<3128x32xf32, #tpu.memory_space<hbm>>
      %dma_start3A_39 = arith.constant 0 : i32
      %dma_start3A_40 = tpu.memref_slice %arg9[%multiple_of3A, %dma_start3A_39] : memref<50048x32xf32, #tpu.memory_space<vmem_shared>> -> memref<3128x32xf32, #tpu.memory_space<vmem_shared>>
      tpu.enqueue_dma source(%dma_start3A_40 : memref<3128x32xf32, #tpu.memory_space<vmem_shared>>) target(%dma_start3A_38 : memref<3128x32xf32, #tpu.memory_space<hbm>>) target_semaphore(%run_scoped3A : memref<!tpu.dma_semaphore, #tpu.memory_space<semaphore_mem>>)
      %dma_wait3A = arith.constant 0 : i32
      %dma_wait3A_41 = tpu.memref_slice %arg5[%multiple_of3A_16, %dma_wait3A] : memref<100096x32xf32, #tpu.memory_space<hbm>> -> memref<3128x32xf32, #tpu.memory_space<hbm>>
      %dma_wait3A_42 = arith.constant 0 : i32
      %dma_wait3A_43 = tpu.memref_slice %arg9[%multiple_of3A, %dma_wait3A_42] : memref<50048x32xf32, #tpu.memory_space<vmem_shared>> -> memref<3128x32xf32, #tpu.memory_space<vmem_shared>>
      tpu.wait_dma2 semaphore(%run_scoped3A : memref<!tpu.dma_semaphore, #tpu.memory_space<semaphore_mem>>) src(%dma_wait3A_43 : memref<3128x32xf32, #tpu.memory_space<vmem_shared>>) dst(%dma_wait3A_41 : memref<3128x32xf32, #tpu.memory_space<hbm>>)
      tpu.yield
    }) : () -> ()
    %barrier3A_17 = arith.constant 0 : index
    tpu.barrier barrier_id(%barrier3A_17)
    "tpu.region"() ({
      %run_scoped3A = tpu.sem_alloc : memref<!tpu.dma_semaphore, #tpu.memory_space<semaphore_mem>>
      %dma_start3A = arith.constant 0 : i32
      %dma_start3A_38 = tpu.memref_slice %arg9[%multiple_of3A, %dma_start3A] : memref<50048x32xf32, #tpu.memory_space<vmem_shared>> -> memref<3128x32xf32, #tpu.memory_space<vmem_shared>>
      %dma_start3A_39 = arith.constant 0 : i32
      %dma_start3A_40 = tpu.memref_slice %arg4[%multiple_of3A, %dma_start3A_39] : memref<50048x32xf32, #tpu.memory_space<hbm>> -> memref<3128x32xf32, #tpu.memory_space<hbm>>
      tpu.enqueue_dma source(%dma_start3A_40 : memref<3128x32xf32, #tpu.memory_space<hbm>>) target(%dma_start3A_38 : memref<3128x32xf32, #tpu.memory_space<vmem_shared>>) target_semaphore(%run_scoped3A : memref<!tpu.dma_semaphore, #tpu.memory_space<semaphore_mem>>)
      %dma_wait3A = arith.constant 0 : i32
      %dma_wait3A_41 = tpu.memref_slice %arg9[%multiple_of3A, %dma_wait3A] : memref<50048x32xf32, #tpu.memory_space<vmem_shared>> -> memref<3128x32xf32, #tpu.memory_space<vmem_shared>>
      %dma_wait3A_42 = arith.constant 0 : i32
      %dma_wait3A_43 = tpu.memref_slice %arg4[%multiple_of3A, %dma_wait3A_42] : memref<50048x32xf32, #tpu.memory_space<hbm>> -> memref<3128x32xf32, #tpu.memory_space<hbm>>
      tpu.wait_dma2 semaphore(%run_scoped3A : memref<!tpu.dma_semaphore, #tpu.memory_space<semaphore_mem>>) src(%dma_wait3A_43 : memref<3128x32xf32, #tpu.memory_space<hbm>>) dst(%dma_wait3A_41 : memref<3128x32xf32, #tpu.memory_space<vmem_shared>>)
      tpu.yield
    }) : () -> ()
    %barrier3A_18 = arith.constant 0 : index
    tpu.barrier barrier_id(%barrier3A_18)
    %mul3A_19 = arith.constant 800 : i32
    %mul3A_20 = arith.muli %arg0, %mul3A_19 : i32
    %mul3A_21 = arith.constant 50 : i32
    %mul3A_22 = arith.muli %arg1, %mul3A_21 : i32
    %add3A_23 = arith.addi %mul3A_20, %mul3A_22 : i32
    %scan3A_24 = arith.constant 0 : i32
    %scan3A_25 = arith.constant 0 : i32
    %scan3A_26 = arith.constant 50 : i32
    %scan3A_27 = arith.addi %scan3A_25, %scan3A_26 : i32
    %scan3A_28 = arith.constant 1 : i32
    scf.for %scan3A_38 = %scan3A_25 to %scan3A_27 step %scan3A_28  : i32 {
      %add3A_39 = arith.addi %add3A_23, %scan3A_38 : i32
      %mul3A_40 = arith.constant 4 : i32
      %mul3A_41 = arith.muli %add3A_39, %mul3A_40 : i32
      %add3A_42 = arith.constant 12544 : i32
      %add3A_43 = arith.addi %add3A_42, %mul3A_41 : i32
      %multiple_of3A_44 = tpu.assume_multiple %add3A_43, 4 : i32
      "tpu.region"() ({
        %run_scoped3A_51 = tpu.sem_alloc : memref<!tpu.dma_semaphore, #tpu.memory_space<semaphore_mem>>
        %dma_start3A = arith.constant 0 : i32
        %dma_start3A_52 = tpu.memref_slice %arg3[%multiple_of3A_44, %dma_start3A] : memref<18944x128xi32, #tpu.memory_space<hbm>> -> memref<4x128xi32, #tpu.memory_space<hbm>>
        %dma_start3A_53 = arith.constant 0 : i32
        %dma_start3A_54 = tpu.memref_slice %arg3[%multiple_of3A_44, %dma_start3A_53] : memref<18944x128xi32, #tpu.memory_space<hbm>> -> memref<4x128xi32, #tpu.memory_space<hbm>>
        tpu.enqueue_dma source(%dma_start3A_54 : memref<4x128xi32, #tpu.memory_space<hbm>>) target(%arg7 : memref<4x128xi32, #tpu.memory_space<vmem>>) target_semaphore(%run_scoped3A_51 : memref<!tpu.dma_semaphore, #tpu.memory_space<semaphore_mem>>)
        %dma_wait3A = arith.constant 0 : i32
        %dma_wait3A_55 = tpu.memref_slice %arg3[%multiple_of3A_44, %dma_wait3A] : memref<18944x128xi32, #tpu.memory_space<hbm>> -> memref<4x128xi32, #tpu.memory_space<hbm>>
        %dma_wait3A_56 = arith.constant 0 : i32
        %dma_wait3A_57 = tpu.memref_slice %arg3[%multiple_of3A_44, %dma_wait3A_56] : memref<18944x128xi32, #tpu.memory_space<hbm>> -> memref<4x128xi32, #tpu.memory_space<hbm>>
        tpu.wait_dma2 semaphore(%run_scoped3A_51 : memref<!tpu.dma_semaphore, #tpu.memory_space<semaphore_mem>>) src(%dma_wait3A_57 : memref<4x128xi32, #tpu.memory_space<hbm>>) dst(%arg7 : memref<4x128xi32, #tpu.memory_space<vmem>>)
        tpu.yield
      }) : () -> ()
      %mul3A_45 = arith.constant 128 : i32
      %mul3A_46 = arith.muli %multiple_of3A_44, %mul3A_45 : i32
      %multiple_of3A_47 = tpu.assume_multiple %mul3A_46, 512 : i32
      "tpu.region"() ({
        %run_scoped3A_51 = tpu.sem_alloc : memref<!tpu.dma_semaphore, #tpu.memory_space<semaphore_mem>>
        %dma_start3A = arith.constant 0 : i32
        %dma_start3A_52 = tpu.memref_slice %arg2[%multiple_of3A_47, %dma_start3A] : memref<2424832x32xf32, #tpu.memory_space<hbm>> -> memref<512x32xf32, #tpu.memory_space<hbm>>
        %dma_start3A_53 = arith.constant 0 : i32
        %dma_start3A_54 = tpu.memref_slice %arg2[%multiple_of3A_47, %dma_start3A_53] : memref<2424832x32xf32, #tpu.memory_space<hbm>> -> memref<512x32xf32, #tpu.memory_space<hbm>>
        tpu.enqueue_dma source(%dma_start3A_54 : memref<512x32xf32, #tpu.memory_space<hbm>>) target(%arg8 : memref<512x32xf32, #tpu.memory_space<vmem>>) target_semaphore(%run_scoped3A_51 : memref<!tpu.dma_semaphore, #tpu.memory_space<semaphore_mem>>)
        %dma_wait3A = arith.constant 0 : i32
        %dma_wait3A_55 = tpu.memref_slice %arg2[%multiple_of3A_47, %dma_wait3A] : memref<2424832x32xf32, #tpu.memory_space<hbm>> -> memref<512x32xf32, #tpu.memory_space<hbm>>
        %dma_wait3A_56 = arith.constant 0 : i32
        %dma_wait3A_57 = tpu.memref_slice %arg2[%multiple_of3A_47, %dma_wait3A_56] : memref<2424832x32xf32, #tpu.memory_space<hbm>> -> memref<512x32xf32, #tpu.memory_space<hbm>>
        tpu.wait_dma2 semaphore(%run_scoped3A_51 : memref<!tpu.dma_semaphore, #tpu.memory_space<semaphore_mem>>) src(%dma_wait3A_57 : memref<512x32xf32, #tpu.memory_space<hbm>>) dst(%arg8 : memref<512x32xf32, #tpu.memory_space<vmem>>)
        tpu.yield
      }) : () -> ()
      %run_scoped3A = arith.constant 0 : i32
      "tpu.region"() ({
        %run_scoped3A_51 = tpu.sem_alloc : memref<!tpu.dma_semaphore, #tpu.memory_space<semaphore_mem>>
        %dma_start3A = arith.constant 0 : i32
        %dma_start3A_52 = arith.constant 0 : i32
        %dma_start3A_53 = tpu.memref_slice %arg8[%dma_start3A, %dma_start3A_52] : memref<512x32xf32, #tpu.memory_space<vmem>> -> memref<128x32xf32, #tpu.memory_space<vmem>>
        %dma_start3A_54 = arith.constant 0 : i32
        %dma_start3A_55 = tpu.memref_slice %arg7[%run_scoped3A, %dma_start3A_54] : memref<4x128xi32, #tpu.memory_space<vmem>> -> memref<1x128xi32, #tpu.memory_space<vmem>>
        %dma_start3A_56 = tpu.memref_squeeze %dma_start3A_55 : memref<1x128xi32, #tpu.memory_space<vmem>> -> memref<128xi32, #tpu.memory_space<vmem>>
        %dma_start3A_57 = arith.constant 0 : i32
        %dma_start3A_58 = arith.constant 0 : i32
        %dma_start3A_59 = tpu.memref_slice %arg9[%dma_start3A_57, %dma_start3A_58] : memref<50048x32xf32, #tpu.memory_space<vmem_shared>> -> memref<50048x32xf32, #tpu.memory_space<vmem_shared>>
        tpu.enqueue_indirect_dma source(%dma_start3A_53 : memref<128x32xf32, #tpu.memory_space<vmem>>) target(%dma_start3A_59 : memref<50048x32xf32, #tpu.memory_space<vmem_shared>>) offsets(%dma_start3A_56 : memref<128xi32, #tpu.memory_space<vmem>>) semaphore(%run_scoped3A_51 : memref<!tpu.dma_semaphore, #tpu.memory_space<semaphore_mem>>) {add = true}
        %dma_wait3A = arith.constant 0 : i32
        %dma_wait3A_60 = arith.constant 0 : i32
        %dma_wait3A_61 = tpu.memref_slice %arg8[%dma_wait3A, %dma_wait3A_60] : memref<512x32xf32, #tpu.memory_space<vmem>> -> memref<128x32xf32, #tpu.memory_space<vmem>>
        %dma_wait3A_62 = arith.constant 0 : i32
        %dma_wait3A_63 = tpu.memref_slice %arg7[%run_scoped3A, %dma_wait3A_62] : memref<4x128xi32, #tpu.memory_space<vmem>> -> memref<1x128xi32, #tpu.memory_space<vmem>>
        %dma_wait3A_64 = tpu.memref_squeeze %dma_wait3A_63 : memref<1x128xi32, #tpu.memory_space<vmem>> -> memref<128xi32, #tpu.memory_space<vmem>>
        %dma_wait3A_65 = arith.constant 0 : i32
        %dma_wait3A_66 = arith.constant 0 : i32
        %dma_wait3A_67 = tpu.memref_slice %arg9[%dma_wait3A_65, %dma_wait3A_66] : memref<50048x32xf32, #tpu.memory_space<vmem_shared>> -> memref<50048x32xf32, #tpu.memory_space<vmem_shared>>
        tpu.wait_indirect_dma semaphore(%run_scoped3A_51 : memref<!tpu.dma_semaphore, #tpu.memory_space<semaphore_mem>>) src(%dma_wait3A_61 : memref<128x32xf32, #tpu.memory_space<vmem>>) dst(%dma_wait3A_67 : memref<50048x32xf32, #tpu.memory_space<vmem_shared>>)
        tpu.yield
      }) : () -> ()
      %run_scoped3A_48 = arith.constant 1 : i32
      "tpu.region"() ({
        %run_scoped3A_51 = tpu.sem_alloc : memref<!tpu.dma_semaphore, #tpu.memory_space<semaphore_mem>>
        %dma_start3A = arith.constant 128 : i32
        %dma_start3A_52 = arith.constant 0 : i32
        %dma_start3A_53 = tpu.memref_slice %arg8[%dma_start3A, %dma_start3A_52] : memref<512x32xf32, #tpu.memory_space<vmem>> -> memref<128x32xf32, #tpu.memory_space<vmem>>
        %dma_start3A_54 = arith.constant 0 : i32
        %dma_start3A_55 = tpu.memref_slice %arg7[%run_scoped3A_48, %dma_start3A_54] : memref<4x128xi32, #tpu.memory_space<vmem>> -> memref<1x128xi32, #tpu.memory_space<vmem>>
        %dma_start3A_56 = tpu.memref_squeeze %dma_start3A_55 : memref<1x128xi32, #tpu.memory_space<vmem>> -> memref<128xi32, #tpu.memory_space<vmem>>
        %dma_start3A_57 = arith.constant 0 : i32
        %dma_start3A_58 = arith.constant 0 : i32
        %dma_start3A_59 = tpu.memref_slice %arg9[%dma_start3A_57, %dma_start3A_58] : memref<50048x32xf32, #tpu.memory_space<vmem_shared>> -> memref<50048x32xf32, #tpu.memory_space<vmem_shared>>
        tpu.enqueue_indirect_dma source(%dma_start3A_53 : memref<128x32xf32, #tpu.memory_space<vmem>>) target(%dma_start3A_59 : memref<50048x32xf32, #tpu.memory_space<vmem_shared>>) offsets(%dma_start3A_56 : memref<128xi32, #tpu.memory_space<vmem>>) semaphore(%run_scoped3A_51 : memref<!tpu.dma_semaphore, #tpu.memory_space<semaphore_mem>>) {add = true}
        %dma_wait3A = arith.constant 128 : i32
        %dma_wait3A_60 = arith.constant 0 : i32
        %dma_wait3A_61 = tpu.memref_slice %arg8[%dma_wait3A, %dma_wait3A_60] : memref<512x32xf32, #tpu.memory_space<vmem>> -> memref<128x32xf32, #tpu.memory_space<vmem>>
        %dma_wait3A_62 = arith.constant 0 : i32
        %dma_wait3A_63 = tpu.memref_slice %arg7[%run_scoped3A_48, %dma_wait3A_62] : memref<4x128xi32, #tpu.memory_space<vmem>> -> memref<1x128xi32, #tpu.memory_space<vmem>>
        %dma_wait3A_64 = tpu.memref_squeeze %dma_wait3A_63 : memref<1x128xi32, #tpu.memory_space<vmem>> -> memref<128xi32, #tpu.memory_space<vmem>>
        %dma_wait3A_65 = arith.constant 0 : i32
        %dma_wait3A_66 = arith.constant 0 : i32
        %dma_wait3A_67 = tpu.memref_slice %arg9[%dma_wait3A_65, %dma_wait3A_66] : memref<50048x32xf32, #tpu.memory_space<vmem_shared>> -> memref<50048x32xf32, #tpu.memory_space<vmem_shared>>
        tpu.wait_indirect_dma semaphore(%run_scoped3A_51 : memref<!tpu.dma_semaphore, #tpu.memory_space<semaphore_mem>>) src(%dma_wait3A_61 : memref<128x32xf32, #tpu.memory_space<vmem>>) dst(%dma_wait3A_67 : memref<50048x32xf32, #tpu.memory_space<vmem_shared>>)
        tpu.yield
      }) : () -> ()
      %run_scoped3A_49 = arith.constant 2 : i32
      "tpu.region"() ({
        %run_scoped3A_51 = tpu.sem_alloc : memref<!tpu.dma_semaphore, #tpu.memory_space<semaphore_mem>>
        %dma_start3A = arith.constant 256 : i32
        %dma_start3A_52 = arith.constant 0 : i32
        %dma_start3A_53 = tpu.memref_slice %arg8[%dma_start3A, %dma_start3A_52] : memref<512x32xf32, #tpu.memory_space<vmem>> -> memref<128x32xf32, #tpu.memory_space<vmem>>
        %dma_start3A_54 = arith.constant 0 : i32
        %dma_start3A_55 = tpu.memref_slice %arg7[%run_scoped3A_49, %dma_start3A_54] : memref<4x128xi32, #tpu.memory_space<vmem>> -> memref<1x128xi32, #tpu.memory_space<vmem>>
        %dma_start3A_56 = tpu.memref_squeeze %dma_start3A_55 : memref<1x128xi32, #tpu.memory_space<vmem>> -> memref<128xi32, #tpu.memory_space<vmem>>
        %dma_start3A_57 = arith.constant 0 : i32
        %dma_start3A_58 = arith.constant 0 : i32
        %dma_start3A_59 = tpu.memref_slice %arg9[%dma_start3A_57, %dma_start3A_58] : memref<50048x32xf32, #tpu.memory_space<vmem_shared>> -> memref<50048x32xf32, #tpu.memory_space<vmem_shared>>
        tpu.enqueue_indirect_dma source(%dma_start3A_53 : memref<128x32xf32, #tpu.memory_space<vmem>>) target(%dma_start3A_59 : memref<50048x32xf32, #tpu.memory_space<vmem_shared>>) offsets(%dma_start3A_56 : memref<128xi32, #tpu.memory_space<vmem>>) semaphore(%run_scoped3A_51 : memref<!tpu.dma_semaphore, #tpu.memory_space<semaphore_mem>>) {add = true}
        %dma_wait3A = arith.constant 256 : i32
        %dma_wait3A_60 = arith.constant 0 : i32
        %dma_wait3A_61 = tpu.memref_slice %arg8[%dma_wait3A, %dma_wait3A_60] : memref<512x32xf32, #tpu.memory_space<vmem>> -> memref<128x32xf32, #tpu.memory_space<vmem>>
        %dma_wait3A_62 = arith.constant 0 : i32
        %dma_wait3A_63 = tpu.memref_slice %arg7[%run_scoped3A_49, %dma_wait3A_62] : memref<4x128xi32, #tpu.memory_space<vmem>> -> memref<1x128xi32, #tpu.memory_space<vmem>>
        %dma_wait3A_64 = tpu.memref_squeeze %dma_wait3A_63 : memref<1x128xi32, #tpu.memory_space<vmem>> -> memref<128xi32, #tpu.memory_space<vmem>>
        %dma_wait3A_65 = arith.constant 0 : i32
        %dma_wait3A_66 = arith.constant 0 : i32
        %dma_wait3A_67 = tpu.memref_slice %arg9[%dma_wait3A_65, %dma_wait3A_66] : memref<50048x32xf32, #tpu.memory_space<vmem_shared>> -> memref<50048x32xf32, #tpu.memory_space<vmem_shared>>
        tpu.wait_indirect_dma semaphore(%run_scoped3A_51 : memref<!tpu.dma_semaphore, #tpu.memory_space<semaphore_mem>>) src(%dma_wait3A_61 : memref<128x32xf32, #tpu.memory_space<vmem>>) dst(%dma_wait3A_67 : memref<50048x32xf32, #tpu.memory_space<vmem_shared>>)
        tpu.yield
      }) : () -> ()
      %run_scoped3A_50 = arith.constant 3 : i32
      "tpu.region"() ({
        %run_scoped3A_51 = tpu.sem_alloc : memref<!tpu.dma_semaphore, #tpu.memory_space<semaphore_mem>>
        %dma_start3A = arith.constant 384 : i32
        %dma_start3A_52 = arith.constant 0 : i32
        %dma_start3A_53 = tpu.memref_slice %arg8[%dma_start3A, %dma_start3A_52] : memref<512x32xf32, #tpu.memory_space<vmem>> -> memref<128x32xf32, #tpu.memory_space<vmem>>
        %dma_start3A_54 = arith.constant 0 : i32
        %dma_start3A_55 = tpu.memref_slice %arg7[%run_scoped3A_50, %dma_start3A_54] : memref<4x128xi32, #tpu.memory_space<vmem>> -> memref<1x128xi32, #tpu.memory_space<vmem>>
        %dma_start3A_56 = tpu.memref_squeeze %dma_start3A_55 : memref<1x128xi32, #tpu.memory_space<vmem>> -> memref<128xi32, #tpu.memory_space<vmem>>
        %dma_start3A_57 = arith.constant 0 : i32
        %dma_start3A_58 = arith.constant 0 : i32
        %dma_start3A_59 = tpu.memref_slice %arg9[%dma_start3A_57, %dma_start3A_58] : memref<50048x32xf32, #tpu.memory_space<vmem_shared>> -> memref<50048x32xf32, #tpu.memory_space<vmem_shared>>
        tpu.enqueue_indirect_dma source(%dma_start3A_53 : memref<128x32xf32, #tpu.memory_space<vmem>>) target(%dma_start3A_59 : memref<50048x32xf32, #tpu.memory_space<vmem_shared>>) offsets(%dma_start3A_56 : memref<128xi32, #tpu.memory_space<vmem>>) semaphore(%run_scoped3A_51 : memref<!tpu.dma_semaphore, #tpu.memory_space<semaphore_mem>>) {add = true}
        %dma_wait3A = arith.constant 384 : i32
        %dma_wait3A_60 = arith.constant 0 : i32
        %dma_wait3A_61 = tpu.memref_slice %arg8[%dma_wait3A, %dma_wait3A_60] : memref<512x32xf32, #tpu.memory_space<vmem>> -> memref<128x32xf32, #tpu.memory_space<vmem>>
        %dma_wait3A_62 = arith.constant 0 : i32
        %dma_wait3A_63 = tpu.memref_slice %arg7[%run_scoped3A_50, %dma_wait3A_62] : memref<4x128xi32, #tpu.memory_space<vmem>> -> memref<1x128xi32, #tpu.memory_space<vmem>>
        %dma_wait3A_64 = tpu.memref_squeeze %dma_wait3A_63 : memref<1x128xi32, #tpu.memory_space<vmem>> -> memref<128xi32, #tpu.memory_space<vmem>>
        %dma_wait3A_65 = arith.constant 0 : i32
        %dma_wait3A_66 = arith.constant 0 : i32
        %dma_wait3A_67 = tpu.memref_slice %arg9[%dma_wait3A_65, %dma_wait3A_66] : memref<50048x32xf32, #tpu.memory_space<vmem_shared>> -> memref<50048x32xf32, #tpu.memory_space<vmem_shared>>
        tpu.wait_indirect_dma semaphore(%run_scoped3A_51 : memref<!tpu.dma_semaphore, #tpu.memory_space<semaphore_mem>>) src(%dma_wait3A_61 : memref<128x32xf32, #tpu.memory_space<vmem>>) dst(%dma_wait3A_67 : memref<50048x32xf32, #tpu.memory_space<vmem_shared>>)
        tpu.yield
      }) : () -> ()
    }
    %scan3A_29 = arith.constant 50 : i32
    %barrier3A_30 = arith.constant 0 : index
    tpu.barrier barrier_id(%barrier3A_30)
    %mul3A_31 = arith.constant 50048 : i32
    %mul3A_32 = arith.muli %arg0, %mul3A_31 : i32
    %mul3A_33 = arith.constant 3128 : i32
    %mul3A_34 = arith.muli %arg1, %mul3A_33 : i32
    %add3A_35 = arith.addi %mul3A_32, %mul3A_34 : i32
    %multiple_of3A_36 = tpu.assume_multiple %add3A_35, 8 : i32
    "tpu.region"() ({
      %run_scoped3A = tpu.sem_alloc : memref<!tpu.dma_semaphore, #tpu.memory_space<semaphore_mem>>
      %dma_start3A = arith.constant 0 : i32
      %dma_start3A_38 = tpu.memref_slice %arg6[%multiple_of3A_36, %dma_start3A] : memref<100096x32xf32, #tpu.memory_space<hbm>> -> memref<3128x32xf32, #tpu.memory_space<hbm>>
      %dma_start3A_39 = arith.constant 0 : i32
      %dma_start3A_40 = tpu.memref_slice %arg9[%multiple_of3A, %dma_start3A_39] : memref<50048x32xf32, #tpu.memory_space<vmem_shared>> -> memref<3128x32xf32, #tpu.memory_space<vmem_shared>>
      tpu.enqueue_dma source(%dma_start3A_40 : memref<3128x32xf32, #tpu.memory_space<vmem_shared>>) target(%dma_start3A_38 : memref<3128x32xf32, #tpu.memory_space<hbm>>) target_semaphore(%run_scoped3A : memref<!tpu.dma_semaphore, #tpu.memory_space<semaphore_mem>>)
      %dma_wait3A = arith.constant 0 : i32
      %dma_wait3A_41 = tpu.memref_slice %arg6[%multiple_of3A_36, %dma_wait3A] : memref<100096x32xf32, #tpu.memory_space<hbm>> -> memref<3128x32xf32, #tpu.memory_space<hbm>>
      %dma_wait3A_42 = arith.constant 0 : i32
      %dma_wait3A_43 = tpu.memref_slice %arg9[%multiple_of3A, %dma_wait3A_42] : memref<50048x32xf32, #tpu.memory_space<vmem_shared>> -> memref<3128x32xf32, #tpu.memory_space<vmem_shared>>
      tpu.wait_dma2 semaphore(%run_scoped3A : memref<!tpu.dma_semaphore, #tpu.memory_space<semaphore_mem>>) src(%dma_wait3A_43 : memref<3128x32xf32, #tpu.memory_space<vmem_shared>>) dst(%dma_wait3A_41 : memref<3128x32xf32, #tpu.memory_space<hbm>>)
      tpu.yield
    }) : () -> ()
    %barrier3A_37 = arith.constant 0 : index
    tpu.barrier barrier_id(%barrier3A_37)
    return
  }
}

#map = affine_map<(d0, d1) -> (0, 0)>
module attributes {stable_mosaic.version = 14 : i64} {
  func.func @k(%arg0: i32, %arg1: i32, %arg2: memref<50048x16xf32, #tpu.memory_space<hbm>>, %arg3: memref<37888x128xi32, #tpu.memory_space<hbm>>, %arg4: memref<4849664x16xf32, #tpu.memory_space<hbm>>, %arg5: memref<16x128xi32, #tpu.memory_space<vmem>>, %arg6: memref<2048x16xf32, #tpu.memory_space<vmem>>, %arg7: memref<50048x16xf32, #tpu.memory_space<vmem_shared>>, %arg8: memref<!tpu.dma_semaphore, #tpu.memory_space<semaphore_mem>>) attributes {dimension_semantics = [#tpu.dimension_semantics<core_parallel>, #tpu.dimension_semantics<subcore_parallel>], iteration_bounds = array<i64: 2, 16>, scalar_prefetch = 0 : i64, scratch_operands = 4 : i64, tpu.core_type = #tpu.core_type<sc_vector_subcore>, window_params = [{transform_indices = #map}, {transform_indices = #map}, {transform_indices = #map}]} {
    %mul3A = arith.constant 2 : i32
    %mul3A_0 = arith.muli %arg1, %mul3A : i32
    %add3A = arith.addi %mul3A_0, %arg0 : i32
    %mul3A_1 = arith.constant 1184 : i32
    %mul3A_2 = arith.muli %add3A, %mul3A_1 : i32
    %mul3A_3 = arith.constant 3128 : i32
    %mul3A_4 = arith.muli %arg1, %mul3A_3 : i32
    %multiple_of3A = tpu.assume_multiple %mul3A_4, 8 : i32
    "tpu.region"() ({
      %run_scoped3A = tpu.sem_alloc : memref<!tpu.dma_semaphore, #tpu.memory_space<semaphore_mem>>
      %dma_start3A = arith.constant 0 : i32
      %dma_start3A_10 = tpu.memref_slice %arg7[%multiple_of3A, %dma_start3A] : memref<50048x16xf32, #tpu.memory_space<vmem_shared>> -> memref<3128x16xf32, #tpu.memory_space<vmem_shared>>
      %dma_start3A_11 = arith.constant 0 : i32
      %dma_start3A_12 = tpu.memref_slice %arg2[%multiple_of3A, %dma_start3A_11] : memref<50048x16xf32, #tpu.memory_space<hbm>> -> memref<3128x16xf32, #tpu.memory_space<hbm>>
      tpu.enqueue_dma source(%dma_start3A_12 : memref<3128x16xf32, #tpu.memory_space<hbm>>) target(%dma_start3A_10 : memref<3128x16xf32, #tpu.memory_space<vmem_shared>>) target_semaphore(%run_scoped3A : memref<!tpu.dma_semaphore, #tpu.memory_space<semaphore_mem>>)
      %dma_wait3A = arith.constant 0 : i32
      %dma_wait3A_13 = tpu.memref_slice %arg7[%multiple_of3A, %dma_wait3A] : memref<50048x16xf32, #tpu.memory_space<vmem_shared>> -> memref<3128x16xf32, #tpu.memory_space<vmem_shared>>
      %dma_wait3A_14 = arith.constant 0 : i32
      %dma_wait3A_15 = tpu.memref_slice %arg2[%multiple_of3A, %dma_wait3A_14] : memref<50048x16xf32, #tpu.memory_space<hbm>> -> memref<3128x16xf32, #tpu.memory_space<hbm>>
      tpu.wait_dma2 semaphore(%run_scoped3A : memref<!tpu.dma_semaphore, #tpu.memory_space<semaphore_mem>>) src(%dma_wait3A_15 : memref<3128x16xf32, #tpu.memory_space<hbm>>) dst(%dma_wait3A_13 : memref<3128x16xf32, #tpu.memory_space<vmem_shared>>)
      tpu.yield
    }) : () -> ()
    %barrier3A = arith.constant 0 : index
    tpu.barrier barrier_id(%barrier3A)
    %scan3A = arith.constant 0 : i32
    %scan3A_5 = arith.constant 0 : i32
    %scan3A_6 = arith.constant 74 : i32
    %scan3A_7 = arith.addi %scan3A_5, %scan3A_6 : i32
    %scan3A_8 = arith.constant 1 : i32
    scf.for %scan3A_10 = %scan3A_5 to %scan3A_7 step %scan3A_8  : i32 {
      %mul3A_11 = arith.constant 16 : i32
      %mul3A_12 = arith.muli %scan3A_10, %mul3A_11 : i32
      %add3A_13 = arith.addi %mul3A_2, %mul3A_12 : i32
      %multiple_of3A_14 = tpu.assume_multiple %add3A_13, 8 : i32
      "tpu.region"() ({
        %run_scoped3A = tpu.sem_alloc : memref<!tpu.dma_semaphore, #tpu.memory_space<semaphore_mem>>
        %dma_start3A_336 = arith.constant 0 : i32
        %dma_start3A_337 = tpu.memref_slice %arg3[%multiple_of3A_14, %dma_start3A_336] : memref<37888x128xi32, #tpu.memory_space<hbm>> -> memref<16x128xi32, #tpu.memory_space<hbm>>
        %dma_start3A_338 = arith.constant 0 : i32
        %dma_start3A_339 = tpu.memref_slice %arg3[%multiple_of3A_14, %dma_start3A_338] : memref<37888x128xi32, #tpu.memory_space<hbm>> -> memref<16x128xi32, #tpu.memory_space<hbm>>
        tpu.enqueue_dma source(%dma_start3A_339 : memref<16x128xi32, #tpu.memory_space<hbm>>) target(%arg5 : memref<16x128xi32, #tpu.memory_space<vmem>>) target_semaphore(%run_scoped3A : memref<!tpu.dma_semaphore, #tpu.memory_space<semaphore_mem>>)
        %dma_wait3A_340 = arith.constant 0 : i32
        %dma_wait3A_341 = tpu.memref_slice %arg3[%multiple_of3A_14, %dma_wait3A_340] : memref<37888x128xi32, #tpu.memory_space<hbm>> -> memref<16x128xi32, #tpu.memory_space<hbm>>
        %dma_wait3A_342 = arith.constant 0 : i32
        %dma_wait3A_343 = tpu.memref_slice %arg3[%multiple_of3A_14, %dma_wait3A_342] : memref<37888x128xi32, #tpu.memory_space<hbm>> -> memref<16x128xi32, #tpu.memory_space<hbm>>
        tpu.wait_dma2 semaphore(%run_scoped3A : memref<!tpu.dma_semaphore, #tpu.memory_space<semaphore_mem>>) src(%dma_wait3A_343 : memref<16x128xi32, #tpu.memory_space<hbm>>) dst(%arg5 : memref<16x128xi32, #tpu.memory_space<vmem>>)
        tpu.yield
      }) : () -> ()
      %dma_start3A = arith.constant 0 : i32
      %dma_start3A_15 = arith.constant 0 : i32
      %dma_start3A_16 = arith.constant 0 : i32
      %dma_start3A_17 = tpu.memref_slice %arg6[%dma_start3A_15, %dma_start3A_16] : memref<2048x16xf32, #tpu.memory_space<vmem>> -> memref<128x16xf32, #tpu.memory_space<vmem>>
      %dma_start3A_18 = arith.constant 0 : i32
      %dma_start3A_19 = tpu.memref_slice %arg5[%dma_start3A, %dma_start3A_18] : memref<16x128xi32, #tpu.memory_space<vmem>> -> memref<1x128xi32, #tpu.memory_space<vmem>>
      %dma_start3A_20 = tpu.memref_squeeze %dma_start3A_19 : memref<1x128xi32, #tpu.memory_space<vmem>> -> memref<128xi32, #tpu.memory_space<vmem>>
      %dma_start3A_21 = arith.constant 0 : i32
      %dma_start3A_22 = arith.constant 0 : i32
      %dma_start3A_23 = tpu.memref_slice %arg7[%dma_start3A_21, %dma_start3A_22] : memref<50048x16xf32, #tpu.memory_space<vmem_shared>> -> memref<50048x16xf32, #tpu.memory_space<vmem_shared>>
      tpu.enqueue_indirect_dma source(%dma_start3A_23 : memref<50048x16xf32, #tpu.memory_space<vmem_shared>>) target(%dma_start3A_17 : memref<128x16xf32, #tpu.memory_space<vmem>>) offsets(%dma_start3A_20 : memref<128xi32, #tpu.memory_space<vmem>>) semaphore(%arg8 : memref<!tpu.dma_semaphore, #tpu.memory_space<semaphore_mem>>)
      %dma_start3A_24 = arith.constant 1 : i32
      %dma_start3A_25 = arith.constant 128 : i32
      %dma_start3A_26 = arith.constant 0 : i32
      %dma_start3A_27 = tpu.memref_slice %arg6[%dma_start3A_25, %dma_start3A_26] : memref<2048x16xf32, #tpu.memory_space<vmem>> -> memref<128x16xf32, #tpu.memory_space<vmem>>
      %dma_start3A_28 = arith.constant 0 : i32
      %dma_start3A_29 = tpu.memref_slice %arg5[%dma_start3A_24, %dma_start3A_28] : memref<16x128xi32, #tpu.memory_space<vmem>> -> memref<1x128xi32, #tpu.memory_space<vmem>>
      %dma_start3A_30 = tpu.memref_squeeze %dma_start3A_29 : memref<1x128xi32, #tpu.memory_space<vmem>> -> memref<128xi32, #tpu.memory_space<vmem>>
      %dma_start3A_31 = arith.constant 0 : i32
      %dma_start3A_32 = arith.constant 0 : i32
      %dma_start3A_33 = tpu.memref_slice %arg7[%dma_start3A_31, %dma_start3A_32] : memref<50048x16xf32, #tpu.memory_space<vmem_shared>> -> memref<50048x16xf32, #tpu.memory_space<vmem_shared>>
      tpu.enqueue_indirect_dma source(%dma_start3A_33 : memref<50048x16xf32, #tpu.memory_space<vmem_shared>>) target(%dma_start3A_27 : memref<128x16xf32, #tpu.memory_space<vmem>>) offsets(%dma_start3A_30 : memref<128xi32, #tpu.memory_space<vmem>>) semaphore(%arg8 : memref<!tpu.dma_semaphore, #tpu.memory_space<semaphore_mem>>)
      %dma_start3A_34 = arith.constant 2 : i32
      %dma_start3A_35 = arith.constant 256 : i32
      %dma_start3A_36 = arith.constant 0 : i32
      %dma_start3A_37 = tpu.memref_slice %arg6[%dma_start3A_35, %dma_start3A_36] : memref<2048x16xf32, #tpu.memory_space<vmem>> -> memref<128x16xf32, #tpu.memory_space<vmem>>
      %dma_start3A_38 = arith.constant 0 : i32
      %dma_start3A_39 = tpu.memref_slice %arg5[%dma_start3A_34, %dma_start3A_38] : memref<16x128xi32, #tpu.memory_space<vmem>> -> memref<1x128xi32, #tpu.memory_space<vmem>>
      %dma_start3A_40 = tpu.memref_squeeze %dma_start3A_39 : memref<1x128xi32, #tpu.memory_space<vmem>> -> memref<128xi32, #tpu.memory_space<vmem>>
      %dma_start3A_41 = arith.constant 0 : i32
      %dma_start3A_42 = arith.constant 0 : i32
      %dma_start3A_43 = tpu.memref_slice %arg7[%dma_start3A_41, %dma_start3A_42] : memref<50048x16xf32, #tpu.memory_space<vmem_shared>> -> memref<50048x16xf32, #tpu.memory_space<vmem_shared>>
      tpu.enqueue_indirect_dma source(%dma_start3A_43 : memref<50048x16xf32, #tpu.memory_space<vmem_shared>>) target(%dma_start3A_37 : memref<128x16xf32, #tpu.memory_space<vmem>>) offsets(%dma_start3A_40 : memref<128xi32, #tpu.memory_space<vmem>>) semaphore(%arg8 : memref<!tpu.dma_semaphore, #tpu.memory_space<semaphore_mem>>)
      %dma_start3A_44 = arith.constant 3 : i32
      %dma_start3A_45 = arith.constant 384 : i32
      %dma_start3A_46 = arith.constant 0 : i32
      %dma_start3A_47 = tpu.memref_slice %arg6[%dma_start3A_45, %dma_start3A_46] : memref<2048x16xf32, #tpu.memory_space<vmem>> -> memref<128x16xf32, #tpu.memory_space<vmem>>
      %dma_start3A_48 = arith.constant 0 : i32
      %dma_start3A_49 = tpu.memref_slice %arg5[%dma_start3A_44, %dma_start3A_48] : memref<16x128xi32, #tpu.memory_space<vmem>> -> memref<1x128xi32, #tpu.memory_space<vmem>>
      %dma_start3A_50 = tpu.memref_squeeze %dma_start3A_49 : memref<1x128xi32, #tpu.memory_space<vmem>> -> memref<128xi32, #tpu.memory_space<vmem>>
      %dma_start3A_51 = arith.constant 0 : i32
      %dma_start3A_52 = arith.constant 0 : i32
      %dma_start3A_53 = tpu.memref_slice %arg7[%dma_start3A_51, %dma_start3A_52] : memref<50048x16xf32, #tpu.memory_space<vmem_shared>> -> memref<50048x16xf32, #tpu.memory_space<vmem_shared>>
      tpu.enqueue_indirect_dma source(%dma_start3A_53 : memref<50048x16xf32, #tpu.memory_space<vmem_shared>>) target(%dma_start3A_47 : memref<128x16xf32, #tpu.memory_space<vmem>>) offsets(%dma_start3A_50 : memref<128xi32, #tpu.memory_space<vmem>>) semaphore(%arg8 : memref<!tpu.dma_semaphore, #tpu.memory_space<semaphore_mem>>)
      %dma_start3A_54 = arith.constant 4 : i32
      %dma_start3A_55 = arith.constant 512 : i32
      %dma_start3A_56 = arith.constant 0 : i32
      %dma_start3A_57 = tpu.memref_slice %arg6[%dma_start3A_55, %dma_start3A_56] : memref<2048x16xf32, #tpu.memory_space<vmem>> -> memref<128x16xf32, #tpu.memory_space<vmem>>
      %dma_start3A_58 = arith.constant 0 : i32
      %dma_start3A_59 = tpu.memref_slice %arg5[%dma_start3A_54, %dma_start3A_58] : memref<16x128xi32, #tpu.memory_space<vmem>> -> memref<1x128xi32, #tpu.memory_space<vmem>>
      %dma_start3A_60 = tpu.memref_squeeze %dma_start3A_59 : memref<1x128xi32, #tpu.memory_space<vmem>> -> memref<128xi32, #tpu.memory_space<vmem>>
      %dma_start3A_61 = arith.constant 0 : i32
      %dma_start3A_62 = arith.constant 0 : i32
      %dma_start3A_63 = tpu.memref_slice %arg7[%dma_start3A_61, %dma_start3A_62] : memref<50048x16xf32, #tpu.memory_space<vmem_shared>> -> memref<50048x16xf32, #tpu.memory_space<vmem_shared>>
      tpu.enqueue_indirect_dma source(%dma_start3A_63 : memref<50048x16xf32, #tpu.memory_space<vmem_shared>>) target(%dma_start3A_57 : memref<128x16xf32, #tpu.memory_space<vmem>>) offsets(%dma_start3A_60 : memref<128xi32, #tpu.memory_space<vmem>>) semaphore(%arg8 : memref<!tpu.dma_semaphore, #tpu.memory_space<semaphore_mem>>)
      %dma_start3A_64 = arith.constant 5 : i32
      %dma_start3A_65 = arith.constant 640 : i32
      %dma_start3A_66 = arith.constant 0 : i32
      %dma_start3A_67 = tpu.memref_slice %arg6[%dma_start3A_65, %dma_start3A_66] : memref<2048x16xf32, #tpu.memory_space<vmem>> -> memref<128x16xf32, #tpu.memory_space<vmem>>
      %dma_start3A_68 = arith.constant 0 : i32
      %dma_start3A_69 = tpu.memref_slice %arg5[%dma_start3A_64, %dma_start3A_68] : memref<16x128xi32, #tpu.memory_space<vmem>> -> memref<1x128xi32, #tpu.memory_space<vmem>>
      %dma_start3A_70 = tpu.memref_squeeze %dma_start3A_69 : memref<1x128xi32, #tpu.memory_space<vmem>> -> memref<128xi32, #tpu.memory_space<vmem>>
      %dma_start3A_71 = arith.constant 0 : i32
      %dma_start3A_72 = arith.constant 0 : i32
      %dma_start3A_73 = tpu.memref_slice %arg7[%dma_start3A_71, %dma_start3A_72] : memref<50048x16xf32, #tpu.memory_space<vmem_shared>> -> memref<50048x16xf32, #tpu.memory_space<vmem_shared>>
      tpu.enqueue_indirect_dma source(%dma_start3A_73 : memref<50048x16xf32, #tpu.memory_space<vmem_shared>>) target(%dma_start3A_67 : memref<128x16xf32, #tpu.memory_space<vmem>>) offsets(%dma_start3A_70 : memref<128xi32, #tpu.memory_space<vmem>>) semaphore(%arg8 : memref<!tpu.dma_semaphore, #tpu.memory_space<semaphore_mem>>)
      %dma_start3A_74 = arith.constant 6 : i32
      %dma_start3A_75 = arith.constant 768 : i32
      %dma_start3A_76 = arith.constant 0 : i32
      %dma_start3A_77 = tpu.memref_slice %arg6[%dma_start3A_75, %dma_start3A_76] : memref<2048x16xf32, #tpu.memory_space<vmem>> -> memref<128x16xf32, #tpu.memory_space<vmem>>
      %dma_start3A_78 = arith.constant 0 : i32
      %dma_start3A_79 = tpu.memref_slice %arg5[%dma_start3A_74, %dma_start3A_78] : memref<16x128xi32, #tpu.memory_space<vmem>> -> memref<1x128xi32, #tpu.memory_space<vmem>>
      %dma_start3A_80 = tpu.memref_squeeze %dma_start3A_79 : memref<1x128xi32, #tpu.memory_space<vmem>> -> memref<128xi32, #tpu.memory_space<vmem>>
      %dma_start3A_81 = arith.constant 0 : i32
      %dma_start3A_82 = arith.constant 0 : i32
      %dma_start3A_83 = tpu.memref_slice %arg7[%dma_start3A_81, %dma_start3A_82] : memref<50048x16xf32, #tpu.memory_space<vmem_shared>> -> memref<50048x16xf32, #tpu.memory_space<vmem_shared>>
      tpu.enqueue_indirect_dma source(%dma_start3A_83 : memref<50048x16xf32, #tpu.memory_space<vmem_shared>>) target(%dma_start3A_77 : memref<128x16xf32, #tpu.memory_space<vmem>>) offsets(%dma_start3A_80 : memref<128xi32, #tpu.memory_space<vmem>>) semaphore(%arg8 : memref<!tpu.dma_semaphore, #tpu.memory_space<semaphore_mem>>)
      %dma_start3A_84 = arith.constant 7 : i32
      %dma_start3A_85 = arith.constant 896 : i32
      %dma_start3A_86 = arith.constant 0 : i32
      %dma_start3A_87 = tpu.memref_slice %arg6[%dma_start3A_85, %dma_start3A_86] : memref<2048x16xf32, #tpu.memory_space<vmem>> -> memref<128x16xf32, #tpu.memory_space<vmem>>
      %dma_start3A_88 = arith.constant 0 : i32
      %dma_start3A_89 = tpu.memref_slice %arg5[%dma_start3A_84, %dma_start3A_88] : memref<16x128xi32, #tpu.memory_space<vmem>> -> memref<1x128xi32, #tpu.memory_space<vmem>>
      %dma_start3A_90 = tpu.memref_squeeze %dma_start3A_89 : memref<1x128xi32, #tpu.memory_space<vmem>> -> memref<128xi32, #tpu.memory_space<vmem>>
      %dma_start3A_91 = arith.constant 0 : i32
      %dma_start3A_92 = arith.constant 0 : i32
      %dma_start3A_93 = tpu.memref_slice %arg7[%dma_start3A_91, %dma_start3A_92] : memref<50048x16xf32, #tpu.memory_space<vmem_shared>> -> memref<50048x16xf32, #tpu.memory_space<vmem_shared>>
      tpu.enqueue_indirect_dma source(%dma_start3A_93 : memref<50048x16xf32, #tpu.memory_space<vmem_shared>>) target(%dma_start3A_87 : memref<128x16xf32, #tpu.memory_space<vmem>>) offsets(%dma_start3A_90 : memref<128xi32, #tpu.memory_space<vmem>>) semaphore(%arg8 : memref<!tpu.dma_semaphore, #tpu.memory_space<semaphore_mem>>)
      %dma_start3A_94 = arith.constant 8 : i32
      %dma_start3A_95 = arith.constant 1024 : i32
      %dma_start3A_96 = arith.constant 0 : i32
      %dma_start3A_97 = tpu.memref_slice %arg6[%dma_start3A_95, %dma_start3A_96] : memref<2048x16xf32, #tpu.memory_space<vmem>> -> memref<128x16xf32, #tpu.memory_space<vmem>>
      %dma_start3A_98 = arith.constant 0 : i32
      %dma_start3A_99 = tpu.memref_slice %arg5[%dma_start3A_94, %dma_start3A_98] : memref<16x128xi32, #tpu.memory_space<vmem>> -> memref<1x128xi32, #tpu.memory_space<vmem>>
      %dma_start3A_100 = tpu.memref_squeeze %dma_start3A_99 : memref<1x128xi32, #tpu.memory_space<vmem>> -> memref<128xi32, #tpu.memory_space<vmem>>
      %dma_start3A_101 = arith.constant 0 : i32
      %dma_start3A_102 = arith.constant 0 : i32
      %dma_start3A_103 = tpu.memref_slice %arg7[%dma_start3A_101, %dma_start3A_102] : memref<50048x16xf32, #tpu.memory_space<vmem_shared>> -> memref<50048x16xf32, #tpu.memory_space<vmem_shared>>
      tpu.enqueue_indirect_dma source(%dma_start3A_103 : memref<50048x16xf32, #tpu.memory_space<vmem_shared>>) target(%dma_start3A_97 : memref<128x16xf32, #tpu.memory_space<vmem>>) offsets(%dma_start3A_100 : memref<128xi32, #tpu.memory_space<vmem>>) semaphore(%arg8 : memref<!tpu.dma_semaphore, #tpu.memory_space<semaphore_mem>>)
      %dma_start3A_104 = arith.constant 9 : i32
      %dma_start3A_105 = arith.constant 1152 : i32
      %dma_start3A_106 = arith.constant 0 : i32
      %dma_start3A_107 = tpu.memref_slice %arg6[%dma_start3A_105, %dma_start3A_106] : memref<2048x16xf32, #tpu.memory_space<vmem>> -> memref<128x16xf32, #tpu.memory_space<vmem>>
      %dma_start3A_108 = arith.constant 0 : i32
      %dma_start3A_109 = tpu.memref_slice %arg5[%dma_start3A_104, %dma_start3A_108] : memref<16x128xi32, #tpu.memory_space<vmem>> -> memref<1x128xi32, #tpu.memory_space<vmem>>
      %dma_start3A_110 = tpu.memref_squeeze %dma_start3A_109 : memref<1x128xi32, #tpu.memory_space<vmem>> -> memref<128xi32, #tpu.memory_space<vmem>>
      %dma_start3A_111 = arith.constant 0 : i32
      %dma_start3A_112 = arith.constant 0 : i32
      %dma_start3A_113 = tpu.memref_slice %arg7[%dma_start3A_111, %dma_start3A_112] : memref<50048x16xf32, #tpu.memory_space<vmem_shared>> -> memref<50048x16xf32, #tpu.memory_space<vmem_shared>>
      tpu.enqueue_indirect_dma source(%dma_start3A_113 : memref<50048x16xf32, #tpu.memory_space<vmem_shared>>) target(%dma_start3A_107 : memref<128x16xf32, #tpu.memory_space<vmem>>) offsets(%dma_start3A_110 : memref<128xi32, #tpu.memory_space<vmem>>) semaphore(%arg8 : memref<!tpu.dma_semaphore, #tpu.memory_space<semaphore_mem>>)
      %dma_start3A_114 = arith.constant 10 : i32
      %dma_start3A_115 = arith.constant 1280 : i32
      %dma_start3A_116 = arith.constant 0 : i32
      %dma_start3A_117 = tpu.memref_slice %arg6[%dma_start3A_115, %dma_start3A_116] : memref<2048x16xf32, #tpu.memory_space<vmem>> -> memref<128x16xf32, #tpu.memory_space<vmem>>
      %dma_start3A_118 = arith.constant 0 : i32
      %dma_start3A_119 = tpu.memref_slice %arg5[%dma_start3A_114, %dma_start3A_118] : memref<16x128xi32, #tpu.memory_space<vmem>> -> memref<1x128xi32, #tpu.memory_space<vmem>>
      %dma_start3A_120 = tpu.memref_squeeze %dma_start3A_119 : memref<1x128xi32, #tpu.memory_space<vmem>> -> memref<128xi32, #tpu.memory_space<vmem>>
      %dma_start3A_121 = arith.constant 0 : i32
      %dma_start3A_122 = arith.constant 0 : i32
      %dma_start3A_123 = tpu.memref_slice %arg7[%dma_start3A_121, %dma_start3A_122] : memref<50048x16xf32, #tpu.memory_space<vmem_shared>> -> memref<50048x16xf32, #tpu.memory_space<vmem_shared>>
      tpu.enqueue_indirect_dma source(%dma_start3A_123 : memref<50048x16xf32, #tpu.memory_space<vmem_shared>>) target(%dma_start3A_117 : memref<128x16xf32, #tpu.memory_space<vmem>>) offsets(%dma_start3A_120 : memref<128xi32, #tpu.memory_space<vmem>>) semaphore(%arg8 : memref<!tpu.dma_semaphore, #tpu.memory_space<semaphore_mem>>)
      %dma_start3A_124 = arith.constant 11 : i32
      %dma_start3A_125 = arith.constant 1408 : i32
      %dma_start3A_126 = arith.constant 0 : i32
      %dma_start3A_127 = tpu.memref_slice %arg6[%dma_start3A_125, %dma_start3A_126] : memref<2048x16xf32, #tpu.memory_space<vmem>> -> memref<128x16xf32, #tpu.memory_space<vmem>>
      %dma_start3A_128 = arith.constant 0 : i32
      %dma_start3A_129 = tpu.memref_slice %arg5[%dma_start3A_124, %dma_start3A_128] : memref<16x128xi32, #tpu.memory_space<vmem>> -> memref<1x128xi32, #tpu.memory_space<vmem>>
      %dma_start3A_130 = tpu.memref_squeeze %dma_start3A_129 : memref<1x128xi32, #tpu.memory_space<vmem>> -> memref<128xi32, #tpu.memory_space<vmem>>
      %dma_start3A_131 = arith.constant 0 : i32
      %dma_start3A_132 = arith.constant 0 : i32
      %dma_start3A_133 = tpu.memref_slice %arg7[%dma_start3A_131, %dma_start3A_132] : memref<50048x16xf32, #tpu.memory_space<vmem_shared>> -> memref<50048x16xf32, #tpu.memory_space<vmem_shared>>
      tpu.enqueue_indirect_dma source(%dma_start3A_133 : memref<50048x16xf32, #tpu.memory_space<vmem_shared>>) target(%dma_start3A_127 : memref<128x16xf32, #tpu.memory_space<vmem>>) offsets(%dma_start3A_130 : memref<128xi32, #tpu.memory_space<vmem>>) semaphore(%arg8 : memref<!tpu.dma_semaphore, #tpu.memory_space<semaphore_mem>>)
      %dma_start3A_134 = arith.constant 12 : i32
      %dma_start3A_135 = arith.constant 1536 : i32
      %dma_start3A_136 = arith.constant 0 : i32
      %dma_start3A_137 = tpu.memref_slice %arg6[%dma_start3A_135, %dma_start3A_136] : memref<2048x16xf32, #tpu.memory_space<vmem>> -> memref<128x16xf32, #tpu.memory_space<vmem>>
      %dma_start3A_138 = arith.constant 0 : i32
      %dma_start3A_139 = tpu.memref_slice %arg5[%dma_start3A_134, %dma_start3A_138] : memref<16x128xi32, #tpu.memory_space<vmem>> -> memref<1x128xi32, #tpu.memory_space<vmem>>
      %dma_start3A_140 = tpu.memref_squeeze %dma_start3A_139 : memref<1x128xi32, #tpu.memory_space<vmem>> -> memref<128xi32, #tpu.memory_space<vmem>>
      %dma_start3A_141 = arith.constant 0 : i32
      %dma_start3A_142 = arith.constant 0 : i32
      %dma_start3A_143 = tpu.memref_slice %arg7[%dma_start3A_141, %dma_start3A_142] : memref<50048x16xf32, #tpu.memory_space<vmem_shared>> -> memref<50048x16xf32, #tpu.memory_space<vmem_shared>>
      tpu.enqueue_indirect_dma source(%dma_start3A_143 : memref<50048x16xf32, #tpu.memory_space<vmem_shared>>) target(%dma_start3A_137 : memref<128x16xf32, #tpu.memory_space<vmem>>) offsets(%dma_start3A_140 : memref<128xi32, #tpu.memory_space<vmem>>) semaphore(%arg8 : memref<!tpu.dma_semaphore, #tpu.memory_space<semaphore_mem>>)
      %dma_start3A_144 = arith.constant 13 : i32
      %dma_start3A_145 = arith.constant 1664 : i32
      %dma_start3A_146 = arith.constant 0 : i32
      %dma_start3A_147 = tpu.memref_slice %arg6[%dma_start3A_145, %dma_start3A_146] : memref<2048x16xf32, #tpu.memory_space<vmem>> -> memref<128x16xf32, #tpu.memory_space<vmem>>
      %dma_start3A_148 = arith.constant 0 : i32
      %dma_start3A_149 = tpu.memref_slice %arg5[%dma_start3A_144, %dma_start3A_148] : memref<16x128xi32, #tpu.memory_space<vmem>> -> memref<1x128xi32, #tpu.memory_space<vmem>>
      %dma_start3A_150 = tpu.memref_squeeze %dma_start3A_149 : memref<1x128xi32, #tpu.memory_space<vmem>> -> memref<128xi32, #tpu.memory_space<vmem>>
      %dma_start3A_151 = arith.constant 0 : i32
      %dma_start3A_152 = arith.constant 0 : i32
      %dma_start3A_153 = tpu.memref_slice %arg7[%dma_start3A_151, %dma_start3A_152] : memref<50048x16xf32, #tpu.memory_space<vmem_shared>> -> memref<50048x16xf32, #tpu.memory_space<vmem_shared>>
      tpu.enqueue_indirect_dma source(%dma_start3A_153 : memref<50048x16xf32, #tpu.memory_space<vmem_shared>>) target(%dma_start3A_147 : memref<128x16xf32, #tpu.memory_space<vmem>>) offsets(%dma_start3A_150 : memref<128xi32, #tpu.memory_space<vmem>>) semaphore(%arg8 : memref<!tpu.dma_semaphore, #tpu.memory_space<semaphore_mem>>)
      %dma_start3A_154 = arith.constant 14 : i32
      %dma_start3A_155 = arith.constant 1792 : i32
      %dma_start3A_156 = arith.constant 0 : i32
      %dma_start3A_157 = tpu.memref_slice %arg6[%dma_start3A_155, %dma_start3A_156] : memref<2048x16xf32, #tpu.memory_space<vmem>> -> memref<128x16xf32, #tpu.memory_space<vmem>>
      %dma_start3A_158 = arith.constant 0 : i32
      %dma_start3A_159 = tpu.memref_slice %arg5[%dma_start3A_154, %dma_start3A_158] : memref<16x128xi32, #tpu.memory_space<vmem>> -> memref<1x128xi32, #tpu.memory_space<vmem>>
      %dma_start3A_160 = tpu.memref_squeeze %dma_start3A_159 : memref<1x128xi32, #tpu.memory_space<vmem>> -> memref<128xi32, #tpu.memory_space<vmem>>
      %dma_start3A_161 = arith.constant 0 : i32
      %dma_start3A_162 = arith.constant 0 : i32
      %dma_start3A_163 = tpu.memref_slice %arg7[%dma_start3A_161, %dma_start3A_162] : memref<50048x16xf32, #tpu.memory_space<vmem_shared>> -> memref<50048x16xf32, #tpu.memory_space<vmem_shared>>
      tpu.enqueue_indirect_dma source(%dma_start3A_163 : memref<50048x16xf32, #tpu.memory_space<vmem_shared>>) target(%dma_start3A_157 : memref<128x16xf32, #tpu.memory_space<vmem>>) offsets(%dma_start3A_160 : memref<128xi32, #tpu.memory_space<vmem>>) semaphore(%arg8 : memref<!tpu.dma_semaphore, #tpu.memory_space<semaphore_mem>>)
      %dma_start3A_164 = arith.constant 15 : i32
      %dma_start3A_165 = arith.constant 1920 : i32
      %dma_start3A_166 = arith.constant 0 : i32
      %dma_start3A_167 = tpu.memref_slice %arg6[%dma_start3A_165, %dma_start3A_166] : memref<2048x16xf32, #tpu.memory_space<vmem>> -> memref<128x16xf32, #tpu.memory_space<vmem>>
      %dma_start3A_168 = arith.constant 0 : i32
      %dma_start3A_169 = tpu.memref_slice %arg5[%dma_start3A_164, %dma_start3A_168] : memref<16x128xi32, #tpu.memory_space<vmem>> -> memref<1x128xi32, #tpu.memory_space<vmem>>
      %dma_start3A_170 = tpu.memref_squeeze %dma_start3A_169 : memref<1x128xi32, #tpu.memory_space<vmem>> -> memref<128xi32, #tpu.memory_space<vmem>>
      %dma_start3A_171 = arith.constant 0 : i32
      %dma_start3A_172 = arith.constant 0 : i32
      %dma_start3A_173 = tpu.memref_slice %arg7[%dma_start3A_171, %dma_start3A_172] : memref<50048x16xf32, #tpu.memory_space<vmem_shared>> -> memref<50048x16xf32, #tpu.memory_space<vmem_shared>>
      tpu.enqueue_indirect_dma source(%dma_start3A_173 : memref<50048x16xf32, #tpu.memory_space<vmem_shared>>) target(%dma_start3A_167 : memref<128x16xf32, #tpu.memory_space<vmem>>) offsets(%dma_start3A_170 : memref<128xi32, #tpu.memory_space<vmem>>) semaphore(%arg8 : memref<!tpu.dma_semaphore, #tpu.memory_space<semaphore_mem>>)
      %dma_wait3A = arith.constant 0 : i32
      %dma_wait3A_174 = arith.constant 0 : i32
      %dma_wait3A_175 = arith.constant 0 : i32
      %dma_wait3A_176 = tpu.memref_slice %arg6[%dma_wait3A_174, %dma_wait3A_175] : memref<2048x16xf32, #tpu.memory_space<vmem>> -> memref<128x16xf32, #tpu.memory_space<vmem>>
      %dma_wait3A_177 = arith.constant 0 : i32
      %dma_wait3A_178 = tpu.memref_slice %arg5[%dma_wait3A, %dma_wait3A_177] : memref<16x128xi32, #tpu.memory_space<vmem>> -> memref<1x128xi32, #tpu.memory_space<vmem>>
      %dma_wait3A_179 = tpu.memref_squeeze %dma_wait3A_178 : memref<1x128xi32, #tpu.memory_space<vmem>> -> memref<128xi32, #tpu.memory_space<vmem>>
      %dma_wait3A_180 = arith.constant 0 : i32
      %dma_wait3A_181 = arith.constant 0 : i32
      %dma_wait3A_182 = tpu.memref_slice %arg7[%dma_wait3A_180, %dma_wait3A_181] : memref<50048x16xf32, #tpu.memory_space<vmem_shared>> -> memref<50048x16xf32, #tpu.memory_space<vmem_shared>>
      tpu.wait_indirect_dma semaphore(%arg8 : memref<!tpu.dma_semaphore, #tpu.memory_space<semaphore_mem>>) src(%dma_wait3A_182 : memref<50048x16xf32, #tpu.memory_space<vmem_shared>>) dst(%dma_wait3A_176 : memref<128x16xf32, #tpu.memory_space<vmem>>)
      %dma_wait3A_183 = arith.constant 1 : i32
      %dma_wait3A_184 = arith.constant 128 : i32
      %dma_wait3A_185 = arith.constant 0 : i32
      %dma_wait3A_186 = tpu.memref_slice %arg6[%dma_wait3A_184, %dma_wait3A_185] : memref<2048x16xf32, #tpu.memory_space<vmem>> -> memref<128x16xf32, #tpu.memory_space<vmem>>
      %dma_wait3A_187 = arith.constant 0 : i32
      %dma_wait3A_188 = tpu.memref_slice %arg5[%dma_wait3A_183, %dma_wait3A_187] : memref<16x128xi32, #tpu.memory_space<vmem>> -> memref<1x128xi32, #tpu.memory_space<vmem>>
      %dma_wait3A_189 = tpu.memref_squeeze %dma_wait3A_188 : memref<1x128xi32, #tpu.memory_space<vmem>> -> memref<128xi32, #tpu.memory_space<vmem>>
      %dma_wait3A_190 = arith.constant 0 : i32
      %dma_wait3A_191 = arith.constant 0 : i32
      %dma_wait3A_192 = tpu.memref_slice %arg7[%dma_wait3A_190, %dma_wait3A_191] : memref<50048x16xf32, #tpu.memory_space<vmem_shared>> -> memref<50048x16xf32, #tpu.memory_space<vmem_shared>>
      tpu.wait_indirect_dma semaphore(%arg8 : memref<!tpu.dma_semaphore, #tpu.memory_space<semaphore_mem>>) src(%dma_wait3A_192 : memref<50048x16xf32, #tpu.memory_space<vmem_shared>>) dst(%dma_wait3A_186 : memref<128x16xf32, #tpu.memory_space<vmem>>)
      %dma_wait3A_193 = arith.constant 2 : i32
      %dma_wait3A_194 = arith.constant 256 : i32
      %dma_wait3A_195 = arith.constant 0 : i32
      %dma_wait3A_196 = tpu.memref_slice %arg6[%dma_wait3A_194, %dma_wait3A_195] : memref<2048x16xf32, #tpu.memory_space<vmem>> -> memref<128x16xf32, #tpu.memory_space<vmem>>
      %dma_wait3A_197 = arith.constant 0 : i32
      %dma_wait3A_198 = tpu.memref_slice %arg5[%dma_wait3A_193, %dma_wait3A_197] : memref<16x128xi32, #tpu.memory_space<vmem>> -> memref<1x128xi32, #tpu.memory_space<vmem>>
      %dma_wait3A_199 = tpu.memref_squeeze %dma_wait3A_198 : memref<1x128xi32, #tpu.memory_space<vmem>> -> memref<128xi32, #tpu.memory_space<vmem>>
      %dma_wait3A_200 = arith.constant 0 : i32
      %dma_wait3A_201 = arith.constant 0 : i32
      %dma_wait3A_202 = tpu.memref_slice %arg7[%dma_wait3A_200, %dma_wait3A_201] : memref<50048x16xf32, #tpu.memory_space<vmem_shared>> -> memref<50048x16xf32, #tpu.memory_space<vmem_shared>>
      tpu.wait_indirect_dma semaphore(%arg8 : memref<!tpu.dma_semaphore, #tpu.memory_space<semaphore_mem>>) src(%dma_wait3A_202 : memref<50048x16xf32, #tpu.memory_space<vmem_shared>>) dst(%dma_wait3A_196 : memref<128x16xf32, #tpu.memory_space<vmem>>)
      %dma_wait3A_203 = arith.constant 3 : i32
      %dma_wait3A_204 = arith.constant 384 : i32
      %dma_wait3A_205 = arith.constant 0 : i32
      %dma_wait3A_206 = tpu.memref_slice %arg6[%dma_wait3A_204, %dma_wait3A_205] : memref<2048x16xf32, #tpu.memory_space<vmem>> -> memref<128x16xf32, #tpu.memory_space<vmem>>
      %dma_wait3A_207 = arith.constant 0 : i32
      %dma_wait3A_208 = tpu.memref_slice %arg5[%dma_wait3A_203, %dma_wait3A_207] : memref<16x128xi32, #tpu.memory_space<vmem>> -> memref<1x128xi32, #tpu.memory_space<vmem>>
      %dma_wait3A_209 = tpu.memref_squeeze %dma_wait3A_208 : memref<1x128xi32, #tpu.memory_space<vmem>> -> memref<128xi32, #tpu.memory_space<vmem>>
      %dma_wait3A_210 = arith.constant 0 : i32
      %dma_wait3A_211 = arith.constant 0 : i32
      %dma_wait3A_212 = tpu.memref_slice %arg7[%dma_wait3A_210, %dma_wait3A_211] : memref<50048x16xf32, #tpu.memory_space<vmem_shared>> -> memref<50048x16xf32, #tpu.memory_space<vmem_shared>>
      tpu.wait_indirect_dma semaphore(%arg8 : memref<!tpu.dma_semaphore, #tpu.memory_space<semaphore_mem>>) src(%dma_wait3A_212 : memref<50048x16xf32, #tpu.memory_space<vmem_shared>>) dst(%dma_wait3A_206 : memref<128x16xf32, #tpu.memory_space<vmem>>)
      %dma_wait3A_213 = arith.constant 4 : i32
      %dma_wait3A_214 = arith.constant 512 : i32
      %dma_wait3A_215 = arith.constant 0 : i32
      %dma_wait3A_216 = tpu.memref_slice %arg6[%dma_wait3A_214, %dma_wait3A_215] : memref<2048x16xf32, #tpu.memory_space<vmem>> -> memref<128x16xf32, #tpu.memory_space<vmem>>
      %dma_wait3A_217 = arith.constant 0 : i32
      %dma_wait3A_218 = tpu.memref_slice %arg5[%dma_wait3A_213, %dma_wait3A_217] : memref<16x128xi32, #tpu.memory_space<vmem>> -> memref<1x128xi32, #tpu.memory_space<vmem>>
      %dma_wait3A_219 = tpu.memref_squeeze %dma_wait3A_218 : memref<1x128xi32, #tpu.memory_space<vmem>> -> memref<128xi32, #tpu.memory_space<vmem>>
      %dma_wait3A_220 = arith.constant 0 : i32
      %dma_wait3A_221 = arith.constant 0 : i32
      %dma_wait3A_222 = tpu.memref_slice %arg7[%dma_wait3A_220, %dma_wait3A_221] : memref<50048x16xf32, #tpu.memory_space<vmem_shared>> -> memref<50048x16xf32, #tpu.memory_space<vmem_shared>>
      tpu.wait_indirect_dma semaphore(%arg8 : memref<!tpu.dma_semaphore, #tpu.memory_space<semaphore_mem>>) src(%dma_wait3A_222 : memref<50048x16xf32, #tpu.memory_space<vmem_shared>>) dst(%dma_wait3A_216 : memref<128x16xf32, #tpu.memory_space<vmem>>)
      %dma_wait3A_223 = arith.constant 5 : i32
      %dma_wait3A_224 = arith.constant 640 : i32
      %dma_wait3A_225 = arith.constant 0 : i32
      %dma_wait3A_226 = tpu.memref_slice %arg6[%dma_wait3A_224, %dma_wait3A_225] : memref<2048x16xf32, #tpu.memory_space<vmem>> -> memref<128x16xf32, #tpu.memory_space<vmem>>
      %dma_wait3A_227 = arith.constant 0 : i32
      %dma_wait3A_228 = tpu.memref_slice %arg5[%dma_wait3A_223, %dma_wait3A_227] : memref<16x128xi32, #tpu.memory_space<vmem>> -> memref<1x128xi32, #tpu.memory_space<vmem>>
      %dma_wait3A_229 = tpu.memref_squeeze %dma_wait3A_228 : memref<1x128xi32, #tpu.memory_space<vmem>> -> memref<128xi32, #tpu.memory_space<vmem>>
      %dma_wait3A_230 = arith.constant 0 : i32
      %dma_wait3A_231 = arith.constant 0 : i32
      %dma_wait3A_232 = tpu.memref_slice %arg7[%dma_wait3A_230, %dma_wait3A_231] : memref<50048x16xf32, #tpu.memory_space<vmem_shared>> -> memref<50048x16xf32, #tpu.memory_space<vmem_shared>>
      tpu.wait_indirect_dma semaphore(%arg8 : memref<!tpu.dma_semaphore, #tpu.memory_space<semaphore_mem>>) src(%dma_wait3A_232 : memref<50048x16xf32, #tpu.memory_space<vmem_shared>>) dst(%dma_wait3A_226 : memref<128x16xf32, #tpu.memory_space<vmem>>)
      %dma_wait3A_233 = arith.constant 6 : i32
      %dma_wait3A_234 = arith.constant 768 : i32
      %dma_wait3A_235 = arith.constant 0 : i32
      %dma_wait3A_236 = tpu.memref_slice %arg6[%dma_wait3A_234, %dma_wait3A_235] : memref<2048x16xf32, #tpu.memory_space<vmem>> -> memref<128x16xf32, #tpu.memory_space<vmem>>
      %dma_wait3A_237 = arith.constant 0 : i32
      %dma_wait3A_238 = tpu.memref_slice %arg5[%dma_wait3A_233, %dma_wait3A_237] : memref<16x128xi32, #tpu.memory_space<vmem>> -> memref<1x128xi32, #tpu.memory_space<vmem>>
      %dma_wait3A_239 = tpu.memref_squeeze %dma_wait3A_238 : memref<1x128xi32, #tpu.memory_space<vmem>> -> memref<128xi32, #tpu.memory_space<vmem>>
      %dma_wait3A_240 = arith.constant 0 : i32
      %dma_wait3A_241 = arith.constant 0 : i32
      %dma_wait3A_242 = tpu.memref_slice %arg7[%dma_wait3A_240, %dma_wait3A_241] : memref<50048x16xf32, #tpu.memory_space<vmem_shared>> -> memref<50048x16xf32, #tpu.memory_space<vmem_shared>>
      tpu.wait_indirect_dma semaphore(%arg8 : memref<!tpu.dma_semaphore, #tpu.memory_space<semaphore_mem>>) src(%dma_wait3A_242 : memref<50048x16xf32, #tpu.memory_space<vmem_shared>>) dst(%dma_wait3A_236 : memref<128x16xf32, #tpu.memory_space<vmem>>)
      %dma_wait3A_243 = arith.constant 7 : i32
      %dma_wait3A_244 = arith.constant 896 : i32
      %dma_wait3A_245 = arith.constant 0 : i32
      %dma_wait3A_246 = tpu.memref_slice %arg6[%dma_wait3A_244, %dma_wait3A_245] : memref<2048x16xf32, #tpu.memory_space<vmem>> -> memref<128x16xf32, #tpu.memory_space<vmem>>
      %dma_wait3A_247 = arith.constant 0 : i32
      %dma_wait3A_248 = tpu.memref_slice %arg5[%dma_wait3A_243, %dma_wait3A_247] : memref<16x128xi32, #tpu.memory_space<vmem>> -> memref<1x128xi32, #tpu.memory_space<vmem>>
      %dma_wait3A_249 = tpu.memref_squeeze %dma_wait3A_248 : memref<1x128xi32, #tpu.memory_space<vmem>> -> memref<128xi32, #tpu.memory_space<vmem>>
      %dma_wait3A_250 = arith.constant 0 : i32
      %dma_wait3A_251 = arith.constant 0 : i32
      %dma_wait3A_252 = tpu.memref_slice %arg7[%dma_wait3A_250, %dma_wait3A_251] : memref<50048x16xf32, #tpu.memory_space<vmem_shared>> -> memref<50048x16xf32, #tpu.memory_space<vmem_shared>>
      tpu.wait_indirect_dma semaphore(%arg8 : memref<!tpu.dma_semaphore, #tpu.memory_space<semaphore_mem>>) src(%dma_wait3A_252 : memref<50048x16xf32, #tpu.memory_space<vmem_shared>>) dst(%dma_wait3A_246 : memref<128x16xf32, #tpu.memory_space<vmem>>)
      %dma_wait3A_253 = arith.constant 8 : i32
      %dma_wait3A_254 = arith.constant 1024 : i32
      %dma_wait3A_255 = arith.constant 0 : i32
      %dma_wait3A_256 = tpu.memref_slice %arg6[%dma_wait3A_254, %dma_wait3A_255] : memref<2048x16xf32, #tpu.memory_space<vmem>> -> memref<128x16xf32, #tpu.memory_space<vmem>>
      %dma_wait3A_257 = arith.constant 0 : i32
      %dma_wait3A_258 = tpu.memref_slice %arg5[%dma_wait3A_253, %dma_wait3A_257] : memref<16x128xi32, #tpu.memory_space<vmem>> -> memref<1x128xi32, #tpu.memory_space<vmem>>
      %dma_wait3A_259 = tpu.memref_squeeze %dma_wait3A_258 : memref<1x128xi32, #tpu.memory_space<vmem>> -> memref<128xi32, #tpu.memory_space<vmem>>
      %dma_wait3A_260 = arith.constant 0 : i32
      %dma_wait3A_261 = arith.constant 0 : i32
      %dma_wait3A_262 = tpu.memref_slice %arg7[%dma_wait3A_260, %dma_wait3A_261] : memref<50048x16xf32, #tpu.memory_space<vmem_shared>> -> memref<50048x16xf32, #tpu.memory_space<vmem_shared>>
      tpu.wait_indirect_dma semaphore(%arg8 : memref<!tpu.dma_semaphore, #tpu.memory_space<semaphore_mem>>) src(%dma_wait3A_262 : memref<50048x16xf32, #tpu.memory_space<vmem_shared>>) dst(%dma_wait3A_256 : memref<128x16xf32, #tpu.memory_space<vmem>>)
      %dma_wait3A_263 = arith.constant 9 : i32
      %dma_wait3A_264 = arith.constant 1152 : i32
      %dma_wait3A_265 = arith.constant 0 : i32
      %dma_wait3A_266 = tpu.memref_slice %arg6[%dma_wait3A_264, %dma_wait3A_265] : memref<2048x16xf32, #tpu.memory_space<vmem>> -> memref<128x16xf32, #tpu.memory_space<vmem>>
      %dma_wait3A_267 = arith.constant 0 : i32
      %dma_wait3A_268 = tpu.memref_slice %arg5[%dma_wait3A_263, %dma_wait3A_267] : memref<16x128xi32, #tpu.memory_space<vmem>> -> memref<1x128xi32, #tpu.memory_space<vmem>>
      %dma_wait3A_269 = tpu.memref_squeeze %dma_wait3A_268 : memref<1x128xi32, #tpu.memory_space<vmem>> -> memref<128xi32, #tpu.memory_space<vmem>>
      %dma_wait3A_270 = arith.constant 0 : i32
      %dma_wait3A_271 = arith.constant 0 : i32
      %dma_wait3A_272 = tpu.memref_slice %arg7[%dma_wait3A_270, %dma_wait3A_271] : memref<50048x16xf32, #tpu.memory_space<vmem_shared>> -> memref<50048x16xf32, #tpu.memory_space<vmem_shared>>
      tpu.wait_indirect_dma semaphore(%arg8 : memref<!tpu.dma_semaphore, #tpu.memory_space<semaphore_mem>>) src(%dma_wait3A_272 : memref<50048x16xf32, #tpu.memory_space<vmem_shared>>) dst(%dma_wait3A_266 : memref<128x16xf32, #tpu.memory_space<vmem>>)
      %dma_wait3A_273 = arith.constant 10 : i32
      %dma_wait3A_274 = arith.constant 1280 : i32
      %dma_wait3A_275 = arith.constant 0 : i32
      %dma_wait3A_276 = tpu.memref_slice %arg6[%dma_wait3A_274, %dma_wait3A_275] : memref<2048x16xf32, #tpu.memory_space<vmem>> -> memref<128x16xf32, #tpu.memory_space<vmem>>
      %dma_wait3A_277 = arith.constant 0 : i32
      %dma_wait3A_278 = tpu.memref_slice %arg5[%dma_wait3A_273, %dma_wait3A_277] : memref<16x128xi32, #tpu.memory_space<vmem>> -> memref<1x128xi32, #tpu.memory_space<vmem>>
      %dma_wait3A_279 = tpu.memref_squeeze %dma_wait3A_278 : memref<1x128xi32, #tpu.memory_space<vmem>> -> memref<128xi32, #tpu.memory_space<vmem>>
      %dma_wait3A_280 = arith.constant 0 : i32
      %dma_wait3A_281 = arith.constant 0 : i32
      %dma_wait3A_282 = tpu.memref_slice %arg7[%dma_wait3A_280, %dma_wait3A_281] : memref<50048x16xf32, #tpu.memory_space<vmem_shared>> -> memref<50048x16xf32, #tpu.memory_space<vmem_shared>>
      tpu.wait_indirect_dma semaphore(%arg8 : memref<!tpu.dma_semaphore, #tpu.memory_space<semaphore_mem>>) src(%dma_wait3A_282 : memref<50048x16xf32, #tpu.memory_space<vmem_shared>>) dst(%dma_wait3A_276 : memref<128x16xf32, #tpu.memory_space<vmem>>)
      %dma_wait3A_283 = arith.constant 11 : i32
      %dma_wait3A_284 = arith.constant 1408 : i32
      %dma_wait3A_285 = arith.constant 0 : i32
      %dma_wait3A_286 = tpu.memref_slice %arg6[%dma_wait3A_284, %dma_wait3A_285] : memref<2048x16xf32, #tpu.memory_space<vmem>> -> memref<128x16xf32, #tpu.memory_space<vmem>>
      %dma_wait3A_287 = arith.constant 0 : i32
      %dma_wait3A_288 = tpu.memref_slice %arg5[%dma_wait3A_283, %dma_wait3A_287] : memref<16x128xi32, #tpu.memory_space<vmem>> -> memref<1x128xi32, #tpu.memory_space<vmem>>
      %dma_wait3A_289 = tpu.memref_squeeze %dma_wait3A_288 : memref<1x128xi32, #tpu.memory_space<vmem>> -> memref<128xi32, #tpu.memory_space<vmem>>
      %dma_wait3A_290 = arith.constant 0 : i32
      %dma_wait3A_291 = arith.constant 0 : i32
      %dma_wait3A_292 = tpu.memref_slice %arg7[%dma_wait3A_290, %dma_wait3A_291] : memref<50048x16xf32, #tpu.memory_space<vmem_shared>> -> memref<50048x16xf32, #tpu.memory_space<vmem_shared>>
      tpu.wait_indirect_dma semaphore(%arg8 : memref<!tpu.dma_semaphore, #tpu.memory_space<semaphore_mem>>) src(%dma_wait3A_292 : memref<50048x16xf32, #tpu.memory_space<vmem_shared>>) dst(%dma_wait3A_286 : memref<128x16xf32, #tpu.memory_space<vmem>>)
      %dma_wait3A_293 = arith.constant 12 : i32
      %dma_wait3A_294 = arith.constant 1536 : i32
      %dma_wait3A_295 = arith.constant 0 : i32
      %dma_wait3A_296 = tpu.memref_slice %arg6[%dma_wait3A_294, %dma_wait3A_295] : memref<2048x16xf32, #tpu.memory_space<vmem>> -> memref<128x16xf32, #tpu.memory_space<vmem>>
      %dma_wait3A_297 = arith.constant 0 : i32
      %dma_wait3A_298 = tpu.memref_slice %arg5[%dma_wait3A_293, %dma_wait3A_297] : memref<16x128xi32, #tpu.memory_space<vmem>> -> memref<1x128xi32, #tpu.memory_space<vmem>>
      %dma_wait3A_299 = tpu.memref_squeeze %dma_wait3A_298 : memref<1x128xi32, #tpu.memory_space<vmem>> -> memref<128xi32, #tpu.memory_space<vmem>>
      %dma_wait3A_300 = arith.constant 0 : i32
      %dma_wait3A_301 = arith.constant 0 : i32
      %dma_wait3A_302 = tpu.memref_slice %arg7[%dma_wait3A_300, %dma_wait3A_301] : memref<50048x16xf32, #tpu.memory_space<vmem_shared>> -> memref<50048x16xf32, #tpu.memory_space<vmem_shared>>
      tpu.wait_indirect_dma semaphore(%arg8 : memref<!tpu.dma_semaphore, #tpu.memory_space<semaphore_mem>>) src(%dma_wait3A_302 : memref<50048x16xf32, #tpu.memory_space<vmem_shared>>) dst(%dma_wait3A_296 : memref<128x16xf32, #tpu.memory_space<vmem>>)
      %dma_wait3A_303 = arith.constant 13 : i32
      %dma_wait3A_304 = arith.constant 1664 : i32
      %dma_wait3A_305 = arith.constant 0 : i32
      %dma_wait3A_306 = tpu.memref_slice %arg6[%dma_wait3A_304, %dma_wait3A_305] : memref<2048x16xf32, #tpu.memory_space<vmem>> -> memref<128x16xf32, #tpu.memory_space<vmem>>
      %dma_wait3A_307 = arith.constant 0 : i32
      %dma_wait3A_308 = tpu.memref_slice %arg5[%dma_wait3A_303, %dma_wait3A_307] : memref<16x128xi32, #tpu.memory_space<vmem>> -> memref<1x128xi32, #tpu.memory_space<vmem>>
      %dma_wait3A_309 = tpu.memref_squeeze %dma_wait3A_308 : memref<1x128xi32, #tpu.memory_space<vmem>> -> memref<128xi32, #tpu.memory_space<vmem>>
      %dma_wait3A_310 = arith.constant 0 : i32
      %dma_wait3A_311 = arith.constant 0 : i32
      %dma_wait3A_312 = tpu.memref_slice %arg7[%dma_wait3A_310, %dma_wait3A_311] : memref<50048x16xf32, #tpu.memory_space<vmem_shared>> -> memref<50048x16xf32, #tpu.memory_space<vmem_shared>>
      tpu.wait_indirect_dma semaphore(%arg8 : memref<!tpu.dma_semaphore, #tpu.memory_space<semaphore_mem>>) src(%dma_wait3A_312 : memref<50048x16xf32, #tpu.memory_space<vmem_shared>>) dst(%dma_wait3A_306 : memref<128x16xf32, #tpu.memory_space<vmem>>)
      %dma_wait3A_313 = arith.constant 14 : i32
      %dma_wait3A_314 = arith.constant 1792 : i32
      %dma_wait3A_315 = arith.constant 0 : i32
      %dma_wait3A_316 = tpu.memref_slice %arg6[%dma_wait3A_314, %dma_wait3A_315] : memref<2048x16xf32, #tpu.memory_space<vmem>> -> memref<128x16xf32, #tpu.memory_space<vmem>>
      %dma_wait3A_317 = arith.constant 0 : i32
      %dma_wait3A_318 = tpu.memref_slice %arg5[%dma_wait3A_313, %dma_wait3A_317] : memref<16x128xi32, #tpu.memory_space<vmem>> -> memref<1x128xi32, #tpu.memory_space<vmem>>
      %dma_wait3A_319 = tpu.memref_squeeze %dma_wait3A_318 : memref<1x128xi32, #tpu.memory_space<vmem>> -> memref<128xi32, #tpu.memory_space<vmem>>
      %dma_wait3A_320 = arith.constant 0 : i32
      %dma_wait3A_321 = arith.constant 0 : i32
      %dma_wait3A_322 = tpu.memref_slice %arg7[%dma_wait3A_320, %dma_wait3A_321] : memref<50048x16xf32, #tpu.memory_space<vmem_shared>> -> memref<50048x16xf32, #tpu.memory_space<vmem_shared>>
      tpu.wait_indirect_dma semaphore(%arg8 : memref<!tpu.dma_semaphore, #tpu.memory_space<semaphore_mem>>) src(%dma_wait3A_322 : memref<50048x16xf32, #tpu.memory_space<vmem_shared>>) dst(%dma_wait3A_316 : memref<128x16xf32, #tpu.memory_space<vmem>>)
      %dma_wait3A_323 = arith.constant 15 : i32
      %dma_wait3A_324 = arith.constant 1920 : i32
      %dma_wait3A_325 = arith.constant 0 : i32
      %dma_wait3A_326 = tpu.memref_slice %arg6[%dma_wait3A_324, %dma_wait3A_325] : memref<2048x16xf32, #tpu.memory_space<vmem>> -> memref<128x16xf32, #tpu.memory_space<vmem>>
      %dma_wait3A_327 = arith.constant 0 : i32
      %dma_wait3A_328 = tpu.memref_slice %arg5[%dma_wait3A_323, %dma_wait3A_327] : memref<16x128xi32, #tpu.memory_space<vmem>> -> memref<1x128xi32, #tpu.memory_space<vmem>>
      %dma_wait3A_329 = tpu.memref_squeeze %dma_wait3A_328 : memref<1x128xi32, #tpu.memory_space<vmem>> -> memref<128xi32, #tpu.memory_space<vmem>>
      %dma_wait3A_330 = arith.constant 0 : i32
      %dma_wait3A_331 = arith.constant 0 : i32
      %dma_wait3A_332 = tpu.memref_slice %arg7[%dma_wait3A_330, %dma_wait3A_331] : memref<50048x16xf32, #tpu.memory_space<vmem_shared>> -> memref<50048x16xf32, #tpu.memory_space<vmem_shared>>
      tpu.wait_indirect_dma semaphore(%arg8 : memref<!tpu.dma_semaphore, #tpu.memory_space<semaphore_mem>>) src(%dma_wait3A_332 : memref<50048x16xf32, #tpu.memory_space<vmem_shared>>) dst(%dma_wait3A_326 : memref<128x16xf32, #tpu.memory_space<vmem>>)
      %mul3A_333 = arith.constant 128 : i32
      %mul3A_334 = arith.muli %multiple_of3A_14, %mul3A_333 : i32
      %multiple_of3A_335 = tpu.assume_multiple %mul3A_334, 8 : i32
      "tpu.region"() ({
        %run_scoped3A = tpu.sem_alloc : memref<!tpu.dma_semaphore, #tpu.memory_space<semaphore_mem>>
        %dma_start3A_336 = arith.constant 0 : i32
        %dma_start3A_337 = tpu.memref_slice %arg4[%multiple_of3A_335, %dma_start3A_336] : memref<4849664x16xf32, #tpu.memory_space<hbm>> -> memref<2048x16xf32, #tpu.memory_space<hbm>>
        %dma_start3A_338 = arith.constant 0 : i32
        %dma_start3A_339 = tpu.memref_slice %arg4[%multiple_of3A_335, %dma_start3A_338] : memref<4849664x16xf32, #tpu.memory_space<hbm>> -> memref<2048x16xf32, #tpu.memory_space<hbm>>
        tpu.enqueue_dma source(%arg6 : memref<2048x16xf32, #tpu.memory_space<vmem>>) target(%dma_start3A_339 : memref<2048x16xf32, #tpu.memory_space<hbm>>) target_semaphore(%run_scoped3A : memref<!tpu.dma_semaphore, #tpu.memory_space<semaphore_mem>>)
        %dma_wait3A_340 = arith.constant 0 : i32
        %dma_wait3A_341 = tpu.memref_slice %arg4[%multiple_of3A_335, %dma_wait3A_340] : memref<4849664x16xf32, #tpu.memory_space<hbm>> -> memref<2048x16xf32, #tpu.memory_space<hbm>>
        %dma_wait3A_342 = arith.constant 0 : i32
        %dma_wait3A_343 = tpu.memref_slice %arg4[%multiple_of3A_335, %dma_wait3A_342] : memref<4849664x16xf32, #tpu.memory_space<hbm>> -> memref<2048x16xf32, #tpu.memory_space<hbm>>
        tpu.wait_dma2 semaphore(%run_scoped3A : memref<!tpu.dma_semaphore, #tpu.memory_space<semaphore_mem>>) src(%arg6 : memref<2048x16xf32, #tpu.memory_space<vmem>>) dst(%dma_wait3A_343 : memref<2048x16xf32, #tpu.memory_space<hbm>>)
        tpu.yield
      }) : () -> ()
    }
    %scan3A_9 = arith.constant 74 : i32
    return
  }
}

module attributes {stable_mosaic.version = 14 : i64} {
  func.func @_edge_body(%arg0: i32, %arg1: memref<1024x128xf32, #tpu.memory_space<vmem>>, %arg2: memref<1024x128xf32, #tpu.memory_space<vmem>>, %arg3: memref<1x32x128xf32, #tpu.memory_space<vmem>>, %arg4: memref<1x1x128xf32, #tpu.memory_space<vmem>>, %arg5: memref<1x128x40xf32, #tpu.memory_space<vmem>>, %arg6: memref<1x1x40xf32, #tpu.memory_space<vmem>>, %arg7: memref<2048x128xf32, #tpu.memory_space<vmem>>) attributes {dimension_semantics = [#tpu.dimension_semantics<parallel>], iteration_bounds = array<i64: 296>, scalar_prefetch = 0 : i64, scratch_operands = 0 : i64, tpu.core_type = #tpu.core_type<tc>, window_params = [{transform_indices = @transform_0, window_bounds = array<i64: 1024, 128>}, {transform_indices = @transform_1, window_bounds = array<i64: 1024, 128>}, {transform_indices = @transform_2, window_bounds = array<i64: 1, 32, 128>}, {transform_indices = @transform_3, window_bounds = array<i64: 1, 1, 128>}, {transform_indices = @transform_4, window_bounds = array<i64: 1, 128, 40>}, {transform_indices = @transform_5, window_bounds = array<i64: 1, 1, 40>}, {transform_indices = @transform_6, window_bounds = array<i64: 2048, 128>}]} {
    %get3A = arith.constant 0 : index
    %get3A_0 = arith.constant 0 : index
    %get3A_1 = vector.load %arg1[%get3A, %get3A_0] : memref<1024x128xf32, #tpu.memory_space<vmem>>, vector<1024x128xf32>
    %get3A_2 = arith.constant 0 : index
    %get3A_3 = arith.constant 0 : index
    %get3A_4 = vector.load %arg2[%get3A_2, %get3A_3] : memref<1024x128xf32, #tpu.memory_space<vmem>>, vector<1024x128xf32>
    %sub3A = arith.subf %get3A_1, %get3A_4 : vector<1024x128xf32>
    %mul3A = arith.mulf %sub3A, %sub3A : vector<1024x128xf32>
    %roll3A = arith.constant 127 : i32
    %roll3A_5 = tpu.dynamic_rotate %mul3A by %roll3A dim 1 : vector<1024x128xf32>, i32 -> vector<1024x128xf32>
    %add3A = arith.addf %mul3A, %roll3A_5 : vector<1024x128xf32>
    %roll3A_6 = arith.constant 126 : i32
    %roll3A_7 = tpu.dynamic_rotate %mul3A by %roll3A_6 dim 1 : vector<1024x128xf32>, i32 -> vector<1024x128xf32>
    %add3A_8 = arith.addf %add3A, %roll3A_7 : vector<1024x128xf32>
    %roll3A_9 = arith.constant 127 : i32
    %roll3A_10 = tpu.dynamic_rotate %get3A_1 by %roll3A_9 dim 1 : vector<1024x128xf32>, i32 -> vector<1024x128xf32>
    %roll3A_11 = arith.constant 126 : i32
    %roll3A_12 = tpu.dynamic_rotate %get3A_1 by %roll3A_11 dim 1 : vector<1024x128xf32>, i32 -> vector<1024x128xf32>
    %roll3A_13 = arith.constant 127 : i32
    %roll3A_14 = tpu.dynamic_rotate %get3A_4 by %roll3A_13 dim 1 : vector<1024x128xf32>, i32 -> vector<1024x128xf32>
    %roll3A_15 = arith.constant 126 : i32
    %roll3A_16 = tpu.dynamic_rotate %get3A_4 by %roll3A_15 dim 1 : vector<1024x128xf32>, i32 -> vector<1024x128xf32>
    %mul3A_17 = arith.mulf %roll3A_10, %roll3A_16 : vector<1024x128xf32>
    %mul3A_18 = arith.mulf %roll3A_12, %roll3A_14 : vector<1024x128xf32>
    %sub3A_19 = arith.subf %mul3A_17, %mul3A_18 : vector<1024x128xf32>
    %mul3A_20 = arith.mulf %roll3A_12, %get3A_4 : vector<1024x128xf32>
    %mul3A_21 = arith.mulf %get3A_1, %roll3A_16 : vector<1024x128xf32>
    %sub3A_22 = arith.subf %mul3A_20, %mul3A_21 : vector<1024x128xf32>
    %mul3A_23 = arith.mulf %get3A_1, %roll3A_14 : vector<1024x128xf32>
    %mul3A_24 = arith.mulf %roll3A_10, %get3A_4 : vector<1024x128xf32>
    %sub3A_25 = arith.subf %mul3A_23, %mul3A_24 : vector<1024x128xf32>
    %mul3A_26 = arith.mulf %sub3A_19, %sub3A_19 : vector<1024x128xf32>
    %mul3A_27 = arith.mulf %sub3A_22, %sub3A_22 : vector<1024x128xf32>
    %add3A_28 = arith.addf %mul3A_26, %mul3A_27 : vector<1024x128xf32>
    %mul3A_29 = arith.mulf %sub3A_25, %sub3A_25 : vector<1024x128xf32>
    %add3A_30 = arith.addf %add3A_28, %mul3A_29 : vector<1024x128xf32>
    %sqrt3A = math.sqrt %add3A_30 : vector<1024x128xf32>
    %iota3A = tpu.iota {dimensions = array<i32: 1>} : vector<1024x128xi32>
    %jit3A = arith.constant 16 : i32
    %eq3A = arith.constant 0 : i32
    %eq3A_31 = arith.cmpi eq, %jit3A, %eq3A : i32
    %jit3A_32 = arith.constant 1 : i32
    %select_n3A = arith.select %eq3A_31, %jit3A_32, %jit3A : i32
    %rem3A = vector.broadcast %select_n3A : i32 to vector<1024x128xi32>
    %rem3A_33 = arith.remsi %iota3A, %rem3A : vector<1024x128xi32>
    %ne3A = arith.constant 0 : i32
    %ne3A_34 = vector.broadcast %ne3A : i32 to vector<1024x128xi32>
    %ne3A_35 = arith.cmpi ne, %rem3A_33, %ne3A_34 : vector<1024x128xi32>
    %lt3A = arith.constant 0 : i32
    %lt3A_36 = vector.broadcast %lt3A : i32 to vector<1024x128xi32>
    %lt3A_37 = arith.cmpi slt, %rem3A_33, %lt3A_36 : vector<1024x128xi32>
    %lt3A_38 = arith.constant 0 : i32
    %lt3A_39 = arith.cmpi slt, %select_n3A, %lt3A_38 : i32
    %ne3A_40 = vector.broadcast %lt3A_39 : i1 to vector<1024x128xi1>
    %ne3A_41 = vector.broadcast %ne3A_40 : vector<1024x128xi1> to vector<1024x128xi1>
    %ne3A_42 = arith.xori %lt3A_37, %ne3A_41 : vector<1024x128xi1>
    %and3A = arith.andi %ne3A_42, %ne3A_35 : vector<1024x128xi1>
    %add3A_43 = vector.broadcast %select_n3A : i32 to vector<1024x128xi32>
    %add3A_44 = arith.addi %rem3A_33, %add3A_43 : vector<1024x128xi32>
    %select_n3A_45 = arith.select %and3A, %add3A_44, %rem3A_33 : vector<1024x128xi1>, vector<1024x128xi32>
    %eq3A_46 = arith.constant 13 : i32
    %eq3A_47 = vector.broadcast %eq3A_46 : i32 to vector<1024x128xi32>
    %eq3A_48 = arith.cmpi eq, %select_n3A_45, %eq3A_47 : vector<1024x128xi32>
    %roll3A_49 = arith.constant 13 : i32
    %roll3A_50 = tpu.dynamic_rotate %add3A_8 by %roll3A_49 dim 1 : vector<1024x128xf32>, i32 -> vector<1024x128xf32>
    %select_n3A_51 = arith.select %eq3A_48, %roll3A_50, %get3A_1 : vector<1024x128xi1>, vector<1024x128xf32>
    %eq3A_52 = arith.constant 14 : i32
    %eq3A_53 = vector.broadcast %eq3A_52 : i32 to vector<1024x128xi32>
    %eq3A_54 = arith.cmpi eq, %select_n3A_45, %eq3A_53 : vector<1024x128xi32>
    %roll3A_55 = arith.constant 11 : i32
    %roll3A_56 = tpu.dynamic_rotate %sub3A_19 by %roll3A_55 dim 1 : vector<1024x128xf32>, i32 -> vector<1024x128xf32>
    %select_n3A_57 = arith.select %eq3A_54, %roll3A_56, %select_n3A_51 : vector<1024x128xi1>, vector<1024x128xf32>
    %eq3A_58 = arith.constant 15 : i32
    %eq3A_59 = vector.broadcast %eq3A_58 : i32 to vector<1024x128xi32>
    %eq3A_60 = arith.cmpi eq, %select_n3A_45, %eq3A_59 : vector<1024x128xi32>
    %roll3A_61 = arith.constant 12 : i32
    %roll3A_62 = tpu.dynamic_rotate %sub3A_22 by %roll3A_61 dim 1 : vector<1024x128xf32>, i32 -> vector<1024x128xf32>
    %select_n3A_63 = arith.select %eq3A_60, %roll3A_62, %select_n3A_57 : vector<1024x128xi1>, vector<1024x128xf32>
    %eq3A_64 = arith.constant 13 : i32
    %eq3A_65 = vector.broadcast %eq3A_64 : i32 to vector<1024x128xi32>
    %eq3A_66 = arith.cmpi eq, %select_n3A_45, %eq3A_65 : vector<1024x128xi32>
    %roll3A_67 = arith.constant 10 : i32
    %roll3A_68 = tpu.dynamic_rotate %sub3A_25 by %roll3A_67 dim 1 : vector<1024x128xf32>, i32 -> vector<1024x128xf32>
    %select_n3A_69 = arith.select %eq3A_66, %roll3A_68, %get3A_4 : vector<1024x128xi1>, vector<1024x128xf32>
    %eq3A_70 = arith.constant 14 : i32
    %eq3A_71 = vector.broadcast %eq3A_70 : i32 to vector<1024x128xi32>
    %eq3A_72 = arith.cmpi eq, %select_n3A_45, %eq3A_71 : vector<1024x128xi32>
    %roll3A_73 = arith.constant 11 : i32
    %roll3A_74 = tpu.dynamic_rotate %sqrt3A by %roll3A_73 dim 1 : vector<1024x128xf32>, i32 -> vector<1024x128xf32>
    %select_n3A_75 = arith.select %eq3A_72, %roll3A_74, %select_n3A_69 : vector<1024x128xi1>, vector<1024x128xf32>
    %slice3A = vector.extract_strided_slice %select_n3A_63 {offsets = [0, 0], sizes = [1024, 16], strides = [1, 1]} : vector<1024x128xf32> to vector<1024x16xf32>
    %slice3A_76 = vector.extract_strided_slice %select_n3A_63 {offsets = [0, 16], sizes = [1024, 16], strides = [1, 1]} : vector<1024x128xf32> to vector<1024x16xf32>
    %slice3A_77 = vector.extract_strided_slice %select_n3A_63 {offsets = [0, 32], sizes = [1024, 16], strides = [1, 1]} : vector<1024x128xf32> to vector<1024x16xf32>
    %slice3A_78 = vector.extract_strided_slice %select_n3A_63 {offsets = [0, 48], sizes = [1024, 16], strides = [1, 1]} : vector<1024x128xf32> to vector<1024x16xf32>
    %slice3A_79 = vector.extract_strided_slice %select_n3A_63 {offsets = [0, 64], sizes = [1024, 16], strides = [1, 1]} : vector<1024x128xf32> to vector<1024x16xf32>
    %slice3A_80 = vector.extract_strided_slice %select_n3A_63 {offsets = [0, 80], sizes = [1024, 16], strides = [1, 1]} : vector<1024x128xf32> to vector<1024x16xf32>
    %slice3A_81 = vector.extract_strided_slice %select_n3A_63 {offsets = [0, 96], sizes = [1024, 16], strides = [1, 1]} : vector<1024x128xf32> to vector<1024x16xf32>
    %slice3A_82 = vector.extract_strided_slice %select_n3A_63 {offsets = [0, 112], sizes = [1024, 16], strides = [1, 1]} : vector<1024x128xf32> to vector<1024x16xf32>
    %concatenate3A = tpu.concatenate %slice3A, %slice3A_76, %slice3A_77, %slice3A_78, %slice3A_79, %slice3A_80, %slice3A_81, %slice3A_82 in 0 : vector<1024x16xf32>, vector<1024x16xf32>, vector<1024x16xf32>, vector<1024x16xf32>, vector<1024x16xf32>, vector<1024x16xf32>, vector<1024x16xf32>, vector<1024x16xf32> -> vector<8192x16xf32>
    %slice3A_83 = vector.extract_strided_slice %select_n3A_75 {offsets = [0, 0], sizes = [1024, 16], strides = [1, 1]} : vector<1024x128xf32> to vector<1024x16xf32>
    %slice3A_84 = vector.extract_strided_slice %select_n3A_75 {offsets = [0, 16], sizes = [1024, 16], strides = [1, 1]} : vector<1024x128xf32> to vector<1024x16xf32>
    %slice3A_85 = vector.extract_strided_slice %select_n3A_75 {offsets = [0, 32], sizes = [1024, 16], strides = [1, 1]} : vector<1024x128xf32> to vector<1024x16xf32>
    %slice3A_86 = vector.extract_strided_slice %select_n3A_75 {offsets = [0, 48], sizes = [1024, 16], strides = [1, 1]} : vector<1024x128xf32> to vector<1024x16xf32>
    %slice3A_87 = vector.extract_strided_slice %select_n3A_75 {offsets = [0, 64], sizes = [1024, 16], strides = [1, 1]} : vector<1024x128xf32> to vector<1024x16xf32>
    %slice3A_88 = vector.extract_strided_slice %select_n3A_75 {offsets = [0, 80], sizes = [1024, 16], strides = [1, 1]} : vector<1024x128xf32> to vector<1024x16xf32>
    %slice3A_89 = vector.extract_strided_slice %select_n3A_75 {offsets = [0, 96], sizes = [1024, 16], strides = [1, 1]} : vector<1024x128xf32> to vector<1024x16xf32>
    %slice3A_90 = vector.extract_strided_slice %select_n3A_75 {offsets = [0, 112], sizes = [1024, 16], strides = [1, 1]} : vector<1024x128xf32> to vector<1024x16xf32>
    %concatenate3A_91 = tpu.concatenate %slice3A_83, %slice3A_84, %slice3A_85, %slice3A_86, %slice3A_87, %slice3A_88, %slice3A_89, %slice3A_90 in 0 : vector<1024x16xf32>, vector<1024x16xf32>, vector<1024x16xf32>, vector<1024x16xf32>, vector<1024x16xf32>, vector<1024x16xf32>, vector<1024x16xf32>, vector<1024x16xf32> -> vector<8192x16xf32>
    %concatenate3A_92 = tpu.concatenate %concatenate3A, %concatenate3A_91 in 1 : vector<8192x16xf32>, vector<8192x16xf32> -> vector<8192x32xf32>
    %get3A_93 = arith.constant 0 : index
    %get3A_94 = arith.constant 0 : index
    %get3A_95 = arith.constant 0 : index
    %get3A_96 = vector.load %arg3[%get3A_93, %get3A_94, %get3A_95] : memref<1x32x128xf32, #tpu.memory_space<vmem>>, vector<1x32x128xf32>
    %get3A_97 = vector.shape_cast %get3A_96 : vector<1x32x128xf32> to vector<32x128xf32>
    %dot_general3A = arith.constant dense<0.000000e+00> : vector<8192x128xf32>
    %dot_general3A_98 = tpu.matmul %concatenate3A_92, %get3A_97, %dot_general3A {dimension_numbers = #tpu.dot_dimension_numbers<[1], [0], [0], [1], [0, 0, 1, 1], [], []>, transpose_lhs_hint = false} : vector<8192x32xf32>, vector<32x128xf32>, vector<8192x128xf32> -> vector<8192x128xf32>
    %get3A_99 = arith.constant 0 : index
    %get3A_100 = arith.constant 0 : index
    %get3A_101 = arith.constant 0 : index
    %get3A_102 = vector.load %arg4[%get3A_99, %get3A_100, %get3A_101] : memref<1x1x128xf32, #tpu.memory_space<vmem>>, vector<1x1x128xf32>
    %get3A_103 = vector.shape_cast %get3A_102 : vector<1x1x128xf32> to vector<1x128xf32>
    %add3A_104 = vector.broadcast %get3A_103 : vector<1x128xf32> to vector<8192x128xf32>
    %add3A_105 = arith.addf %dot_general3A_98, %add3A_104 : vector<8192x128xf32>
    %tanh3A = math.tanh %add3A_105 : vector<8192x128xf32>
    %get3A_106 = arith.constant 0 : index
    %get3A_107 = arith.constant 0 : index
    %get3A_108 = arith.constant 0 : index
    %get3A_109 = vector.load %arg5[%get3A_106, %get3A_107, %get3A_108] : memref<1x128x40xf32, #tpu.memory_space<vmem>>, vector<1x128x40xf32>
    %get3A_110 = vector.shape_cast %get3A_109 : vector<1x128x40xf32> to vector<128x40xf32>
    %dot_general3A_111 = arith.constant dense<0.000000e+00> : vector<8192x40xf32>
    %dot_general3A_112 = tpu.matmul %tanh3A, %get3A_110, %dot_general3A_111 {dimension_numbers = #tpu.dot_dimension_numbers<[1], [0], [0], [1], [0, 0, 1, 1], [], []>, transpose_lhs_hint = false} : vector<8192x128xf32>, vector<128x40xf32>, vector<8192x40xf32> -> vector<8192x40xf32>
    %get3A_113 = arith.constant 0 : index
    %get3A_114 = arith.constant 0 : index
    %get3A_115 = arith.constant 0 : index
    %get3A_116 = vector.load %arg6[%get3A_113, %get3A_114, %get3A_115] : memref<1x1x40xf32, #tpu.memory_space<vmem>>, vector<1x1x40xf32>
    %get3A_117 = vector.shape_cast %get3A_116 : vector<1x1x40xf32> to vector<1x40xf32>
    %add3A_118 = vector.broadcast %get3A_117 : vector<1x40xf32> to vector<8192x40xf32>
    %add3A_119 = arith.addf %dot_general3A_112, %add3A_118 : vector<8192x40xf32>
    %slice3A_120 = vector.extract_strided_slice %add3A_119 {offsets = [0, 0], sizes = [8192, 32], strides = [1, 1]} : vector<8192x40xf32> to vector<8192x32xf32>
    %slice3A_121 = vector.extract_strided_slice %add3A_119 {offsets = [0, 32], sizes = [8192, 1], strides = [1, 1]} : vector<8192x40xf32> to vector<8192x1xf32>
    %logistic3A = arith.negf %slice3A_121 : vector<8192x1xf32>
    %logistic3A_122 = math.exp %logistic3A : vector<8192x1xf32>
    %logistic3A_123 = arith.constant 1.000000e+00 : f32
    %logistic3A_124 = vector.broadcast %logistic3A_123 : f32 to vector<8192x1xf32>
    %logistic3A_125 = arith.addf %logistic3A_124, %logistic3A_122 : vector<8192x1xf32>
    %logistic3A_126 = arith.divf %logistic3A_124, %logistic3A_125 : vector<8192x1xf32>
    %mul3A_127 = vector.broadcast %logistic3A_126 : vector<8192x1xf32> to vector<8192x32xf32>
    %mul3A_128 = arith.mulf %slice3A_120, %mul3A_127 : vector<8192x32xf32>
    %slice3A_129 = vector.extract_strided_slice %mul3A_128 {offsets = [0, 0], sizes = [1024, 32], strides = [1, 1]} : vector<8192x32xf32> to vector<1024x32xf32>
    %slice3A_130 = vector.extract_strided_slice %mul3A_128 {offsets = [4096, 0], sizes = [1024, 32], strides = [1, 1]} : vector<8192x32xf32> to vector<1024x32xf32>
    %stack3A = vector.shape_cast %slice3A_129 : vector<1024x32xf32> to vector<1024x1x32xf32>
    %stack3A_131 = vector.shape_cast %slice3A_130 : vector<1024x32xf32> to vector<1024x1x32xf32>
    %stack3A_132 = tpu.concatenate %stack3A, %stack3A_131 in 1 : vector<1024x1x32xf32>, vector<1024x1x32xf32> -> vector<1024x2x32xf32>
    %reshape3A = vector.shape_cast %stack3A_132 : vector<1024x2x32xf32> to vector<2048x32xf32>
    %slice3A_133 = vector.extract_strided_slice %mul3A_128 {offsets = [1024, 0], sizes = [1024, 32], strides = [1, 1]} : vector<8192x32xf32> to vector<1024x32xf32>
    %slice3A_134 = vector.extract_strided_slice %mul3A_128 {offsets = [5120, 0], sizes = [1024, 32], strides = [1, 1]} : vector<8192x32xf32> to vector<1024x32xf32>
    %stack3A_135 = vector.shape_cast %slice3A_133 : vector<1024x32xf32> to vector<1024x1x32xf32>
    %stack3A_136 = vector.shape_cast %slice3A_134 : vector<1024x32xf32> to vector<1024x1x32xf32>
    %stack3A_137 = tpu.concatenate %stack3A_135, %stack3A_136 in 1 : vector<1024x1x32xf32>, vector<1024x1x32xf32> -> vector<1024x2x32xf32>
    %reshape3A_138 = vector.shape_cast %stack3A_137 : vector<1024x2x32xf32> to vector<2048x32xf32>
    %slice3A_139 = vector.extract_strided_slice %mul3A_128 {offsets = [2048, 0], sizes = [1024, 32], strides = [1, 1]} : vector<8192x32xf32> to vector<1024x32xf32>
    %slice3A_140 = vector.extract_strided_slice %mul3A_128 {offsets = [6144, 0], sizes = [1024, 32], strides = [1, 1]} : vector<8192x32xf32> to vector<1024x32xf32>
    %stack3A_141 = vector.shape_cast %slice3A_139 : vector<1024x32xf32> to vector<1024x1x32xf32>
    %stack3A_142 = vector.shape_cast %slice3A_140 : vector<1024x32xf32> to vector<1024x1x32xf32>
    %stack3A_143 = tpu.concatenate %stack3A_141, %stack3A_142 in 1 : vector<1024x1x32xf32>, vector<1024x1x32xf32> -> vector<1024x2x32xf32>
    %reshape3A_144 = vector.shape_cast %stack3A_143 : vector<1024x2x32xf32> to vector<2048x32xf32>
    %slice3A_145 = vector.extract_strided_slice %mul3A_128 {offsets = [3072, 0], sizes = [1024, 32], strides = [1, 1]} : vector<8192x32xf32> to vector<1024x32xf32>
    %slice3A_146 = vector.extract_strided_slice %mul3A_128 {offsets = [7168, 0], sizes = [1024, 32], strides = [1, 1]} : vector<8192x32xf32> to vector<1024x32xf32>
    %stack3A_147 = vector.shape_cast %slice3A_145 : vector<1024x32xf32> to vector<1024x1x32xf32>
    %stack3A_148 = vector.shape_cast %slice3A_146 : vector<1024x32xf32> to vector<1024x1x32xf32>
    %stack3A_149 = tpu.concatenate %stack3A_147, %stack3A_148 in 1 : vector<1024x1x32xf32>, vector<1024x1x32xf32> -> vector<1024x2x32xf32>
    %reshape3A_150 = vector.shape_cast %stack3A_149 : vector<1024x2x32xf32> to vector<2048x32xf32>
    %concatenate3A_151 = tpu.concatenate %reshape3A, %reshape3A_138, %reshape3A_144, %reshape3A_150 in 1 : vector<2048x32xf32>, vector<2048x32xf32>, vector<2048x32xf32>, vector<2048x32xf32> -> vector<2048x128xf32>
    %swap3A = arith.constant 0 : index
    %swap3A_152 = arith.constant 0 : index
    %swap3A_153 = vector.load %arg7[%swap3A, %swap3A_152] : memref<2048x128xf32, #tpu.memory_space<vmem>>, vector<2048x128xf32>
    tpu.vector_store %arg7[%swap3A, %swap3A_152], %concatenate3A_151 {strides = array<i32>} : memref<2048x128xf32, #tpu.memory_space<vmem>>, vector<2048x128xf32>,
    return
  }
  func.func @transform_0(%arg0: i32) -> (i32, i32) {
    %lt3A = arith.constant 196 : i32
    %lt3A_0 = arith.cmpi slt, %arg0, %lt3A : i32
    %add3A = arith.constant 196 : i32
    %add3A_1 = arith.addi %arg0, %add3A : i32
    %select_n3A = arith.select %lt3A_0, %arg0, %add3A_1 : i32
    %c0_i32 = arith.constant 0 : i32
    %c0_i32_2 = arith.constant 0 : i32
    return %select_n3A, %c0_i32 : i32, i32
  }
  func.func @transform_1(%arg0: i32) -> (i32, i32) {
    %lt3A = arith.constant 196 : i32
    %lt3A_0 = arith.cmpi slt, %arg0, %lt3A : i32
    %add3A = arith.constant 196 : i32
    %add3A_1 = arith.addi %arg0, %add3A : i32
    %add3A_2 = arith.constant 196 : i32
    %add3A_3 = arith.addi %arg0, %add3A_2 : i32
    %add3A_4 = arith.constant 100 : i32
    %add3A_5 = arith.addi %add3A_3, %add3A_4 : i32
    %select_n3A = arith.select %lt3A_0, %add3A_1, %add3A_5 : i32
    %c0_i32 = arith.constant 0 : i32
    %c0_i32_6 = arith.constant 0 : i32
    return %select_n3A, %c0_i32 : i32, i32
  }
  func.func @transform_2(%arg0: i32) -> (i32, i32, i32) {
    %lt3A = arith.constant 196 : i32
    %lt3A_0 = arith.cmpi slt, %arg0, %lt3A : i32
    %jit3A = arith.constant 0 : i32
    %jit3A_1 = arith.constant 1 : i32
    %select_n3A = arith.select %lt3A_0, %jit3A, %jit3A_1 : i32
    %c0_i32 = arith.constant 0 : i32
    %c0_i32_2 = arith.constant 0 : i32
    %c0_i32_3 = arith.constant 0 : i32
    return %select_n3A, %c0_i32, %c0_i32_2 : i32, i32, i32
  }
  func.func @transform_3(%arg0: i32) -> (i32, i32, i32) {
    %lt3A = arith.constant 196 : i32
    %lt3A_0 = arith.cmpi slt, %arg0, %lt3A : i32
    %jit3A = arith.constant 0 : i32
    %jit3A_1 = arith.constant 1 : i32
    %select_n3A = arith.select %lt3A_0, %jit3A, %jit3A_1 : i32
    %c0_i32 = arith.constant 0 : i32
    %c0_i32_2 = arith.constant 0 : i32
    %c0_i32_3 = arith.constant 0 : i32
    return %select_n3A, %c0_i32, %c0_i32_2 : i32, i32, i32
  }
  func.func @transform_4(%arg0: i32) -> (i32, i32, i32) {
    %lt3A = arith.constant 196 : i32
    %lt3A_0 = arith.cmpi slt, %arg0, %lt3A : i32
    %jit3A = arith.constant 0 : i32
    %jit3A_1 = arith.constant 1 : i32
    %select_n3A = arith.select %lt3A_0, %jit3A, %jit3A_1 : i32
    %c0_i32 = arith.constant 0 : i32
    %c0_i32_2 = arith.constant 0 : i32
    %c0_i32_3 = arith.constant 0 : i32
    return %select_n3A, %c0_i32, %c0_i32_2 : i32, i32, i32
  }
  func.func @transform_5(%arg0: i32) -> (i32, i32, i32) {
    %lt3A = arith.constant 196 : i32
    %lt3A_0 = arith.cmpi slt, %arg0, %lt3A : i32
    %jit3A = arith.constant 0 : i32
    %jit3A_1 = arith.constant 1 : i32
    %select_n3A = arith.select %lt3A_0, %jit3A, %jit3A_1 : i32
    %c0_i32 = arith.constant 0 : i32
    %c0_i32_2 = arith.constant 0 : i32
    %c0_i32_3 = arith.constant 0 : i32
    return %select_n3A, %c0_i32, %c0_i32_2 : i32, i32, i32
  }
  func.func @transform_6(%arg0: i32) -> (i32, i32) {
    %c0_i32 = arith.constant 0 : i32
    %c0_i32_0 = arith.constant 0 : i32
    return %arg0, %c0_i32 : i32, i32
  }
}

module attributes {stable_mosaic.version = 14 : i64} {
  func.func @_node_body(%arg0: i32, %arg1: memref<5000x16xf32, #tpu.memory_space<vmem>>, %arg2: memref<2x5000x32xf32, #tpu.memory_space<vmem>>, %arg3: memref<2x5000x32xf32, #tpu.memory_space<vmem>>, %arg4: memref<80x64xf32, #tpu.memory_space<vmem>>, %arg5: memref<1x64xf32, #tpu.memory_space<vmem>>, %arg6: memref<64x16xf32, #tpu.memory_space<vmem>>, %arg7: memref<1x16xf32, #tpu.memory_space<vmem>>, %arg8: memref<5000x16xf32, #tpu.memory_space<vmem>>) attributes {dimension_semantics = [#tpu.dimension_semantics<parallel>], iteration_bounds = array<i64: 10>, scalar_prefetch = 0 : i64, scratch_operands = 0 : i64, tpu.core_type = #tpu.core_type<tc>, window_params = [{transform_indices = @transform_0, window_bounds = array<i64: 5000, 16>}, {transform_indices = @transform_1, window_bounds = array<i64: 2, 5000, 32>}, {transform_indices = @transform_2, window_bounds = array<i64: 2, 5000, 32>}, {pipeline_mode = #tpu.pipeline_mode<synchronous>, transform_indices = @transform_3, window_bounds = array<i64: 80, 64>}, {pipeline_mode = #tpu.pipeline_mode<synchronous>, transform_indices = @transform_4, window_bounds = array<i64: 1, 64>}, {pipeline_mode = #tpu.pipeline_mode<synchronous>, transform_indices = @transform_5, window_bounds = array<i64: 64, 16>}, {pipeline_mode = #tpu.pipeline_mode<synchronous>, transform_indices = @transform_6, window_bounds = array<i64: 1, 16>}, {transform_indices = @transform_7, window_bounds = array<i64: 5000, 16>}]} {
    %get3A = arith.constant 0 : index
    %get3A_0 = arith.constant 0 : index
    %get3A_1 = vector.load %arg1[%get3A, %get3A_0] : memref<5000x16xf32, #tpu.memory_space<vmem>>, vector<5000x16xf32>
    %get3A_2 = arith.constant 0 : index
    %get3A_3 = arith.constant 0 : index
    %get3A_4 = arith.constant 0 : index
    %get3A_5 = vector.load %arg2[%get3A_2, %get3A_3, %get3A_4] : memref<2x5000x32xf32, #tpu.memory_space<vmem>>, vector<1x5000x32xf32>
    %get3A_6 = vector.shape_cast %get3A_5 : vector<1x5000x32xf32> to vector<5000x32xf32>
    %get3A_7 = arith.constant 1 : index
    %get3A_8 = arith.constant 0 : index
    %get3A_9 = arith.constant 0 : index
    %get3A_10 = vector.load %arg2[%get3A_7, %get3A_8, %get3A_9] : memref<2x5000x32xf32, #tpu.memory_space<vmem>>, vector<1x5000x32xf32>
    %get3A_11 = vector.shape_cast %get3A_10 : vector<1x5000x32xf32> to vector<5000x32xf32>
    %add3A = arith.addf %get3A_6, %get3A_11 : vector<5000x32xf32>
    %get3A_12 = arith.constant 0 : index
    %get3A_13 = arith.constant 0 : index
    %get3A_14 = arith.constant 0 : index
    %get3A_15 = vector.load %arg3[%get3A_12, %get3A_13, %get3A_14] : memref<2x5000x32xf32, #tpu.memory_space<vmem>>, vector<1x5000x32xf32>
    %get3A_16 = vector.shape_cast %get3A_15 : vector<1x5000x32xf32> to vector<5000x32xf32>
    %get3A_17 = arith.constant 1 : index
    %get3A_18 = arith.constant 0 : index
    %get3A_19 = arith.constant 0 : index
    %get3A_20 = vector.load %arg3[%get3A_17, %get3A_18, %get3A_19] : memref<2x5000x32xf32, #tpu.memory_space<vmem>>, vector<1x5000x32xf32>
    %get3A_21 = vector.shape_cast %get3A_20 : vector<1x5000x32xf32> to vector<5000x32xf32>
    %add3A_22 = arith.addf %get3A_16, %get3A_21 : vector<5000x32xf32>
    %concatenate3A = tpu.concatenate %get3A_1, %add3A, %add3A_22 in 1 : vector<5000x16xf32>, vector<5000x32xf32>, vector<5000x32xf32> -> vector<5000x80xf32>
    %get3A_23 = arith.constant 0 : index
    %get3A_24 = arith.constant 0 : index
    %get3A_25 = vector.load %arg4[%get3A_23, %get3A_24] : memref<80x64xf32, #tpu.memory_space<vmem>>, vector<80x64xf32>
    %dot_general3A = arith.constant dense<0.000000e+00> : vector<5000x64xf32>
    %dot_general3A_26 = tpu.matmul %concatenate3A, %get3A_25, %dot_general3A {dimension_numbers = #tpu.dot_dimension_numbers<[1], [0], [0], [1], [0, 0, 1, 1], [], []>, transpose_lhs_hint = false} : vector<5000x80xf32>, vector<80x64xf32>, vector<5000x64xf32> -> vector<5000x64xf32>
    %get3A_27 = arith.constant 0 : index
    %get3A_28 = arith.constant 0 : index
    %get3A_29 = vector.load %arg5[%get3A_27, %get3A_28] : memref<1x64xf32, #tpu.memory_space<vmem>>, vector<1x64xf32>
    %add3A_30 = vector.broadcast %get3A_29 : vector<1x64xf32> to vector<5000x64xf32>
    %add3A_31 = arith.addf %dot_general3A_26, %add3A_30 : vector<5000x64xf32>
    %tanh3A = math.tanh %add3A_31 : vector<5000x64xf32>
    %get3A_32 = arith.constant 0 : index
    %get3A_33 = arith.constant 0 : index
    %get3A_34 = vector.load %arg6[%get3A_32, %get3A_33] : memref<64x16xf32, #tpu.memory_space<vmem>>, vector<64x16xf32>
    %dot_general3A_35 = arith.constant dense<0.000000e+00> : vector<5000x16xf32>
    %dot_general3A_36 = tpu.matmul %tanh3A, %get3A_34, %dot_general3A_35 {dimension_numbers = #tpu.dot_dimension_numbers<[1], [0], [0], [1], [0, 0, 1, 1], [], []>, transpose_lhs_hint = false} : vector<5000x64xf32>, vector<64x16xf32>, vector<5000x16xf32> -> vector<5000x16xf32>
    %get3A_37 = arith.constant 0 : index
    %get3A_38 = arith.constant 0 : index
    %get3A_39 = vector.load %arg7[%get3A_37, %get3A_38] : memref<1x16xf32, #tpu.memory_space<vmem>>, vector<1x16xf32>
    %add3A_40 = vector.broadcast %get3A_39 : vector<1x16xf32> to vector<5000x16xf32>
    %add3A_41 = arith.addf %dot_general3A_36, %add3A_40 : vector<5000x16xf32>
    %swap3A = arith.constant 0 : index
    %swap3A_42 = arith.constant 0 : index
    %swap3A_43 = vector.load %arg8[%swap3A, %swap3A_42] : memref<5000x16xf32, #tpu.memory_space<vmem>>, vector<5000x16xf32>
    tpu.vector_store %arg8[%swap3A, %swap3A_42], %add3A_41 {strides = array<i32>} : memref<5000x16xf32, #tpu.memory_space<vmem>>, vector<5000x16xf32>,
    return
  }
  func.func @transform_0(%arg0: i32) -> (i32, i32) {
    %c0_i32 = arith.constant 0 : i32
    %c0_i32_0 = arith.constant 0 : i32
    return %arg0, %c0_i32 : i32, i32
  }
  func.func @transform_1(%arg0: i32) -> (i32, i32, i32) {
    %c0_i32 = arith.constant 0 : i32
    %c0_i32_0 = arith.constant 0 : i32
    %c0_i32_1 = arith.constant 0 : i32
    return %c0_i32, %arg0, %c0_i32_0 : i32, i32, i32
  }
  func.func @transform_2(%arg0: i32) -> (i32, i32, i32) {
    %c0_i32 = arith.constant 0 : i32
    %c0_i32_0 = arith.constant 0 : i32
    %c0_i32_1 = arith.constant 0 : i32
    return %c0_i32, %arg0, %c0_i32_0 : i32, i32, i32
  }
  func.func @transform_3(%arg0: i32) -> (i32, i32) {
    %c0_i32 = arith.constant 0 : i32
    %c0_i32_0 = arith.constant 0 : i32
    %c0_i32_1 = arith.constant 0 : i32
    return %c0_i32, %c0_i32_0 : i32, i32
  }
  func.func @transform_4(%arg0: i32) -> (i32, i32) {
    %c0_i32 = arith.constant 0 : i32
    %c0_i32_0 = arith.constant 0 : i32
    %c0_i32_1 = arith.constant 0 : i32
    return %c0_i32, %c0_i32_0 : i32, i32
  }
  func.func @transform_5(%arg0: i32) -> (i32, i32) {
    %c0_i32 = arith.constant 0 : i32
    %c0_i32_0 = arith.constant 0 : i32
    %c0_i32_1 = arith.constant 0 : i32
    return %c0_i32, %c0_i32_0 : i32, i32
  }
  func.func @transform_6(%arg0: i32) -> (i32, i32) {
    %c0_i32 = arith.constant 0 : i32
    %c0_i32_0 = arith.constant 0 : i32
    %c0_i32_1 = arith.constant 0 : i32
    return %c0_i32, %c0_i32_0 : i32, i32
  }
  func.func @transform_7(%arg0: i32) -> (i32, i32) {
    %c0_i32 = arith.constant 0 : i32
    %c0_i32_0 = arith.constant 0 : i32
    return %arg0, %c0_i32 : i32, i32
  }
}

</mosaic_0001>

<sc_bundles>
// kernel: kernel.6.cloned.1.call-start
scs
__scs_entry_jumppad:
0x0: {  	(pc) =	sbr.rel $0x88, $3  }
0x1: {  	(tag) =	ssettag $0x0;
	lr =	simm.s32 $0x1  }
0x2: {  	[smem:$0x3F8A] =	sst lr;
	_ =	strace $0xD0000000  }
0x3: {  	_ = 	snop  }
0x4: {  	_ = 	snop  }
0x5: {  	_ = 	snop  }
0x6: {  	_ = 	snop  }
0x7: {  	_ = 	snop  }
__scs_overlays_trampoline_lowered:
0x8: {  	[smem:$0x3F99] =	sst s0  }
0x9: {  	[smem:$0x3F9A] =	sst s1  }
0xa: {  	[smem:$0x3F9B] =	sst s2  }
0xb: {  	[smem:$0x3F9C] =	sst s3  }
0xc: {  	[smem:$0x3F9D] =	sst s4  }
0xd: {  	[smem:$0x3F9E] =	sst s5  }
0xe: {  	[smem:$0x3F9F] =	sst s6  }
0xf: {  	[smem:$0x3FA0] =	sst s7  }
0x10: {  	[smem:$0x3FA1] =	sst s8  }
0x11: {  	[smem:$0x3FA2] =	sst s9;
	s0 =	simm.s32 @!p0 $0x0  }
0x12: {  	s1 =	sld [smem:$0x3F88];
	s0 =	simm.s32 @p0 $0x1  }
0x13: {  	[smem:$0x3FA3] =	sst s0;
	s0 =	simm.s32 @!p1 $0x0  }
0x14: {  	s2 =	sld [smem:$0x3F87];
	s0 =	simm.s32 @p1 $0x1  }
0x15: {  	[smem:$0x3FA4] =	sst s0;
	s0 =	simm.s32 @!p2 $0x0  }
0x16: {  	s3 =	sld [smem:$0x3FDB];
	s0 =	simm.s32 @p2 $0x1  }
0x17: {  	s4 =	simm.s32 $0x1BF5;
	[smem:$0x3FA6] =	sst s0  }
0x18: {  	s0 =	sld [smem:$0x3F89];
	_ =	swait.ge [sflag:s4], $0x0  }
0x19: {  	s7 =	sld [smem:$0x3F8A]  }
0x1a: {  	s8 =	sadd.s32 $0xFFFFE003, lr  }
0x1b: {  	s9 =	sadd.s32 $0xFFFFFEF7, lr;
	s5 =	simm.s32 $0xFFFFFFFF;
	p2 =	slt.u32 s8, $0xFFFFF086  }
0x1c: {  	p1 =	slt.u32 s9, $0xF7A;
	s5 =	simm.s32 @!p2 $0x0  }
0x1d: {  	s5 =	simm.s32 @p1 $0x1;
	p0 =	seq.s32 s7, s2  }
0x1e: {  	s7 =	smul.u32 @!p0 $0xF7A, s2;
	p2 =	seq.s32 @!p0 s5, $0x0  }
0x1f: {  	s9 =	smul.u32 $0xF7A, s1;
	s8 =	simm.s32 @!p0 $0x1BF5;
	p2 =	por !p2, p0  }
0x20: {  	[sflag:s8] =	ssyncset.s32 @!p0 $0xFFFFF086;
	s6 =	sadd.s32 @!p0 s3, s7;
	s7 =	simm.s32 @!p0 $0x108  }
0x21: {  	s3 =	sadd.s32 s3, s9;
	s6 =	sadd.s32 @!p0 $0x88, s6;
	s7 =	simm.s32 @p2 $0x1082  }
0x22: {  	[simem:s7], [sflag:s8] =	dma.local @!p0 [hbm:s6], $0xF7A  }
0x23: {  	s9 =	sor.u32 $0xD0000000, s2;
	s6 =	simm.s32 $0x108;
	_ =	swait.ge @!p0 [sflag:s8], $0x0  }
0x24: {  	s3 =	sadd.s32 $0x88, s3;
	s6 =	simm.s32 @!p1 $0x1082;
	[sflag:s4] =	ssyncset.s32 $0xFFFFF086  }
0x25: {  	[simem:s6], [sflag:s4] =	dma.local [hbm:s3], $0xF7A  }
0x26: {  	[smem:$0x3F8A] =	sst s1;
	(tag) =	ssettag s2;
	_ =	strace s9  }
0x27: {  	s1 =	sld [smem:$0x3F9A]  }
0x28: {  	s2 =	sld [smem:$0x3F9B]  }
0x29: {  	s4 =	sld [smem:$0x3F9D]  }
0x2a: {  	p0 =	seq.s32 s5, $0x0;
	s5 =	sld [smem:$0x3F9E]  }
0x2b: {  	s6 =	sld [smem:$0x3F9F]  }
0x2c: {  	s7 =	sld [smem:$0x3FA0]  }
0x2d: {  	s3 =	simm.s32 $0x108;
	s8 =	sld [smem:$0x3FA1]  }
0x2e: {  	s3 =	simm.s32 @!p0 $0x1082;
	s9 =	sld [smem:$0x3FA2]  }
0x2f: {  	lr =	sadd.s32 s0, s3;
	s0 =	sld [smem:$0x3F99]  }
0x30: {  	s3 =	sld [smem:$0x3F9C]  }
0x31: {  	[smem:$0x3FA5] =	sst s10  }
0x32: {  	s10 =	sld [smem:$0x3FA3];
	_ =	sdelay $0x3  }
0x33: {  	p0 =	seq.s32 s10, $0x1;
	s10 =	sld [smem:$0x3FA5];
	_ =	sdelay $0x3  }
0x34: {  	[smem:$0x3FA5] =	sst s10  }
0x35: {  	s10 =	sld [smem:$0x3FA4];
	_ =	sdelay $0x3  }
0x36: {  	p1 =	seq.s32 s10, $0x1;
	s10 =	sld [smem:$0x3FA5];
	_ =	sdelay $0x3  }
0x37: {  	[smem:$0x3FA5] =	sst s10  }
0x38: {  	s10 =	sld [smem:$0x3FA6]  }
0x39: {  	_ = 	snop;
	(pc) =	sbr.ind lr, $3  }
0x3a: {  	_ = 	snop  }
0x3b: {  	_ = 	snop  }
0x3c: {  	p2 =	seq.s32 s10, $0x1;
	s10 =	sld [smem:$0x3FA5]  }
0x3d: {  	_ =	shalt  }
0x3e: {  	_ =	shalt  }
0x3f: {  	_ =	shalt  }
0x40: {  	_ =	shalt  }
0x41: {  	_ =	shalt  }
0x42: {  	_ =	shalt  }
0x43: {  	_ =	shalt  }
0x44: {  	_ =	shalt  }
0x45: {  	_ =	shalt  }
0x46: {  	_ =	shalt  }
0x47: {  	_ =	shalt  }
0x48: {  	_ =	shalt  }
0x49: {  	_ =	shalt  }
0x4a: {  	_ =	shalt  }
0x4b: {  	_ =	shalt  }
0x4c: {  	_ =	shalt  }
0x4d: {  	_ =	shalt  }
0x4e: {  	_ =	shalt  }
0x4f: {  	_ =	shalt  }
0x50: {  	_ =	shalt  }
0x51: {  	_ =	shalt  }
0x52: {  	_ =	shalt  }
0x53: {  	_ =	shalt  }
0x54: {  	_ =	shalt  }
0x55: {  	_ =	shalt  }
0x56: {  	_ =	shalt  }
0x57: {  	_ =	shalt  }
0x58: {  	_ =	shalt  }
0x59: {  	_ =	shalt  }
0x5a: {  	_ =	shalt  }
0x5b: {  	_ =	shalt  }
0x5c: {  	_ =	shalt  }
0x5d: {  	_ =	shalt  }
0x5e: {  	_ =	shalt  }
0x5f: {  	_ =	shalt  }
0x60: {  	_ =	shalt  }
0x61: {  	_ =	shalt  }
0x62: {  	_ =	shalt  }
0x63: {  	_ =	shalt  }
0x64: {  	_ =	shalt  }
0x65: {  	_ =	shalt  }
0x66: {  	_ =	shalt  }
0x67: {  	_ =	shalt  }
0x68: {  	_ =	shalt  }
0x69: {  	_ =	shalt  }
0x6a: {  	_ =	shalt  }
0x6b: {  	_ =	shalt  }
0x6c: {  	_ =	shalt  }
0x6d: {  	_ =	shalt  }
0x6e: {  	_ =	shalt  }
0x6f: {  	_ =	shalt  }
0x70: {  	_ =	shalt  }
0x71: {  	_ =	shalt  }
0x72: {  	_ =	shalt  }
0x73: {  	_ =	shalt  }
0x74: {  	_ =	shalt  }
0x75: {  	_ =	shalt  }
0x76: {  	_ =	shalt  }
0x77: {  	_ =	shalt  }
0x78: {  	_ =	shalt  }
0x79: {  	_ =	shalt  }
0x7a: {  	_ =	shalt  }
0x7b: {  	_ =	shalt  }
0x7c: {  	_ =	shalt  }
0x7d: {  	_ =	shalt  }
0x7e: {  	_ =	shalt  }
0x7f: {  	_ =	shalt  }
0x80: {  	_ =	shalt  }
0x81: {  	_ =	shalt  }
0x82: {  	_ =	shalt  }
0x83: {  	_ =	shalt  }
0x84: {  	_ =	shalt  }
0x85: {  	_ =	shalt  }
0x86: {  	_ =	shalt  }
0x87: {  	_ =	shalt  }
.Lfunc_end0:
.L_simem_size_0:
called_computation_lowered:
.L_overlay_start_0:
0x88: {  	s2 =	sld [smem:$0x3FD9]  }
0x89: {  	s3 =	sld [smem:$0x3FFE];
	_ =	sdelay $0x1  }
0x8a: {  	s1 =	srdreg.scid  }
0x8b: {  	s0 =	sand.u32 $0x1, s1  }
0x8c: {  	s16 =	sshll.u32 s0, $0xA;
	s2 =	sadd.s32 s3, s2  }
0x8d: {  	s2 =	sadd.s32 s2, s16  }
0x8e: {  	[smem:$0x3FB1] =	sst s2  }
0x8f: {  	_ = 	snop  }
0x90: {  	(tm) =	ssettm $0x1  }
0x91: {  	s17 =	sld [smem:$0x3FFB];
	_ =	sdelay $0x3  }
0x92: {  	_ =	strace s17  }
0x93: {  	s2 =	sld [smem:$0x3FFC];
	_ =	sdelay $0x3  }
0x94: {  	_ =	strace s2  }
0x95: {  	s2 =	sld [smem:$0x3FFD];
	_ =	sdelay $0x3  }
0x96: {  	_ =	strace s2  }
0x97: {  	_ =	strace $0x8FFFFFFF  }
0x98: {  	s18 =	sld [smem:$0x3FDB];
	_ =	sdelay $0x1  }
0x99: {  	s19 =	simm.s32 $_scs_section_size  }
0x9a: {  	s4 =	simm.s32 $_size__tile_overlayer_lowered;
	s5 =	simm.s32 $_tile_overlayer_lowered  }
0x9b: {  	s22 =	simm.s32 $0x1BFF;
	s21 =	sshll.u32 s5, $0x1;
	s2 =	sadd.s32 s19, s18  }
0x9c: {  	s6 =	simm.s32 $0x0;
	s20 =	sshll.u32 s4, $0x1;
	s4 =	sadd.s32 s21, s2  }
0x9d: {  	[timem:s6], [sflag:s22] =	dma.local [hbm:s4], s20  }
0x9e: {  	_ =	swait.ge [sflag:s22], s20  }
0x9f: {  	s3 =	ssub.s32 $0x0, s20;
	[sflag:s22] =	ssyncset.done $0x0  }
0xa0: {  	[sflag:s22] =	ssyncadd.s32 s3;
	_ =	sdelay $0x1  }
0xa1: {  	s23 =	simm.s32 $0x1B8B  }
0xa2: {  	_ =	swait.ge [sflag:s23], $0x1  }
0xa3: {  	[sflag:s23] =	ssyncset.done $0x0  }
0xa4: {  	s25 =	simm.s32 $0x1B8E;
	s24 =	sld [smem:$0x3FFE];
	[sflag:s23] =	ssyncadd.s32 $0xFFFFFFFF  }
0xa5: {  	s26 =	simm.s32 $execute0_lowered;
	[smem:$0x3FD2] =	sst s25  }
0xa6: {  	s4 =	sshll.u32 s26, $0x1;
	_ =	strace $0x80000046;
	[dreg:$0x1] =	wrdreg $0xFFFFFFFF  }
0xa7: {  	s28 =	simm.s32 $_size_execute0_lowered;
	s2 =	sadd.s32 s2, s4;
	[dreg:$0x0] =	wrdreg $0x0  }
0xa8: {  	s4 =	sshll.u32 s28, $0x1;
	[dreg:$0x2] =	wrdreg s2  }
0xa9: {  	[dreg:$0x3] =	wrdreg s4  }
0xaa: {  	[dreg:$0x4] =	wrdreg $0xC0  }
0xab: {  	_ =	task [dreg:s6], $0x5FFFF  }
0xac: {  	[dreg:$0x1] =	wrdreg $0xFFFFFFFF  }
0xad: {  	[dreg:$0x0] =	wrdreg $0x60  }
0xae: {  	[dreg:$0x2] =	wrdreg s24  }
0xaf: {  	[dreg:$0x3] =	wrdreg $0x88000  }
0xb0: {  	[dreg:$0x4] =	wrdreg $0x9  }
0xb1: {  	_ =	task.clear_ibuf [dreg:s6], $0x5FFFF;
	_ =	strace $0x90000046  }
0xb2: {  	s29 =	simm.s32 $0x9;
	_ =	strace $0x80000048  }
0xb3: {  	_ =	swait.ge [sflag:s29], $0x1  }
0xb4: {  	[sflag:s29] =	ssyncadd.s32 $0xFFFFFFFF  }
0xb5: {  	_ =	strace $0x90000048  }
0xb6: {  	_ =	sfence  }
0xb7: {  	s30 =	sld [smem:$0x0];
	_ =	sdelay $0x2  }
0xb8: {  	s31 =	sshll.u32 s1, $0xD;
	s1 =	sshrl.u32 s1, $0x2  }
0xb9: {  	s3 =	sand.u32 $0x4000, s31;
	s1 =	sadd.s32 s1, s30  }
0xba: {  	s0 =	sor.u32 s3, s0;
	s1 =	sshll.u32 s1, $0x11  }
0xbb: {  	s0 =	sor.u32 s1, s0  }
0xbc: {  	s0 =	sadd.s32 $0x8F2B, s0  }
0xbd: {  	[sflag:s0] =	ssyncadd.remote.s32 $0x1  }
0xbe: {  	_ =	sfence.sel $0xFFFF  }
0xbf: {  	[dreg:$0x0] =	wrdreg $0xFFFFFFFF;
	(pc) =	sbr.abs _section_cstart, $3  }
0xc0: {  	[dreg:$0x1] =	wrdreg $0xFFFFFFFF  }
0xc1: {  	_ =	task.clear_ibuf [dreg:s6], $0x2FFFF;
	_ =	strace $0x9FFFFFFF  }
0xc2: {  	(tm) =	ssettm $0x7FFFFFFF  }
0xc3: {  	_ =	shalt  }
tec
execute0_lowered:
.L_overlay_start_1:
0x0: {  	(tag) =	ssettag $0x1  }
0x1: {  	s0 =	rddreg [dreg:$0x0]  }
0x2: {  	s2 =	rddreg [dreg:$0x1]  }
0x3: {  	s10 =	stileid.u32;
	s4 =	srdreg.scid;
	s3 =	simm.s32 $0x0  }
0x4: {  	s18 =	simm.s32 $0x1000;
	s19 =	simm.s32 $0x100;
	s20 =	simm.s32 $0x1800  }
0x5: {  	s21 =	simm.s32 $0x180;
	s22 =	simm.s32 $0x2000;
	s23 =	simm.s32 $0x200  }
0x6: {  	s24 =	simm.s32 $0x2800;
	s25 =	simm.s32 $0x280;
	s26 =	simm.s32 $0x3000  }
0x7: {  	s11 =	simm.s32 $0x800;
	s12 =	simm.s32 $0x300;
	[smem:$0x7FF] =	sst s3  }
0x8: {  	s13 =	simm.s32 $0x3800;
	_ =	strace $0x80000047;
	[dreg:$0x4] =	wrdreg s18  }
0x9: {  	s14 =	simm.s32 $0x380;
	s28 =	simm.s32 $0x7000;
	[dreg:$0x5] =	wrdreg s19  }
0xa: {  	s29 =	simm.s32 $0x700;
	s30 =	simm.s32 $0x7800;
	[dreg:$0x6] =	wrdreg s20  }
0xb: {  	s31 =	simm.s32 $0x780;
	s1 =	smul.u32 $0xC380, s10;
	[dreg:$0x7] =	wrdreg s21  }
0xc: {  	s4 =	sand.u32 $0x1, s4;
	s5 =	smul.u32 $0x4A000, s10;
	[dreg:$0x8] =	wrdreg s22  }
0xd: {  	s15 =	smul.u32 $0x94000, s10;
	s17 =	sshll.u32 s10, $0x6;
	[dreg:$0x9] =	wrdreg s23  }
0xe: {  	s10 =	simm.s32 $0x80;
	s6 =	smul.u32 $0x25000, s4;
	[dreg:$0xa] =	wrdreg s24  }
0xf: {  	s8 =	ssub.s32 $0x2, s4;
	s4 =	smul.u32 $0x4A000, s4;
	[dreg:$0xb] =	wrdreg s25  }
0x10: {  	[dreg:$0xc] =	wrdreg s26;
	s18 =	simm.s32 $0x480;
	s19 =	simm.s32 $0x5000  }
0x11: {  	s20 =	simm.s32 $0x500;
	s21 =	simm.s32 $0x5800;
	s22 =	simm.s32 $0x580  }
0x12: {  	s23 =	simm.s32 $0x6000;
	s24 =	simm.s32 $0x600;
	s25 =	simm.s32 $0x6800  }
0x13: {  	s26 =	simm.s32 $0x680;
	s7 =	sshrl.u32 s1, $0x3;
	s9 =	sshrl.u32 s8, $0x1  }
0x14: {  	s1 =	sadd.s32 s1, s2;
	s5 =	sadd.s32 s6, s5;
	s7 =	sadd.s32 s7, s0  }
0x15: {  	s16 =	ssub.s32 s8, s9;
	s1 =	sshrl.u32 s1, $0x3;
	s9 =	simm.s32 $0x2  }
0x16: {  	s5 =	sshrl.u32 s5, $0x3;
	s7 =	sadd.s32 $0x1A4C00, s7;
	s6 =	smax.u32 s16, $0x1  }
0x17: {  	[dreg:$0x11] =	wrdreg s1;
	s16 =	simm.s32 $0x400;
	s1 =	simm.s32 $0x1  }
0x18: {  	s5 =	sadd.s32 s5, s0;
	s0 =	sadd.s32 s15, s0;
	[dreg:$0xd] =	wrdreg s7  }
0x19: {  	s7 =	sor.u32 $0x1C02, s17;
	[dreg:$0xf] =	wrdreg s6;
	s15 =	simm.s32 $0x4000  }
0x1a: {  	s5 =	sadd.s32 $0x4D400, s5;
	[dreg:$0xe] =	wrdreg s7;
	s0 =	sadd.s32 s4, s0  }
0x1b: {  	s17 =	simm.s32 $0x4800;
	[dreg:$0x3] =	wrdreg s5;
	s0 =	sadd.s32 $0x1BD400, s0  }
0x1c: {  	s5 =	simm.s32 $0x0;
	[dreg:$0x10] =	wrdreg s0;
	s0 =	simm.s32 $0x8000  }
.LBB2_1:
0x1d: {  	[dreg:$0x12] =	wrdreg s5  }
0x1e: {  	s4 =	rddreg [dreg:$0xd]  }
0x1f: {  	s7 =	rddreg [dreg:$0xe]  }
0x20: {  	s6 =	rddreg [dreg:$0x11]  }
0x21: {  	[spmem:s6], [sflag:s7] =	dma.local [hbm:s4], $0x1870  }
0x22: {  	_ =	swait.ge [sflag:s9], $0x1870  }
0x23: {  	[sflag:s9] =	ssyncset.done $0x0  }
0x24: {  	[sflag:s9] =	ssyncadd.s32 $0xFFFFE790  }
0x25: {  	[bflag:$0x0] =	sbarrier.arrive $0xFFFF  }
0x26: {  	s8 =	rddreg [dreg:$0x3]  }
0x27: {  	s5 =	sadd.s32 $0x0, s8  }
0x28: {  	[tilespmem:s3], [sflag:$0x2] =	stream.linear.gather [hbm4b:s5+s3], $0x800, $0x38;
	[tilespmem:$0x14B80] =	vst v63  }
0x29: {  	_ =	swait.ge [sflag:s9], $0x800  }
0x2a: {  	s5 =	rddreg [dreg:$0x5]  }
0x2b: {  	[sflag:s9] =	ssyncset.done $0x0;
	s4 =	rddreg [dreg:$0x4]  }
0x2c: {  	s7 =	rddreg [dreg:$0x6];
	[sflag:s9] =	ssyncadd.s32 $0xFFFFF800  }
0x2d: {  	[tilespmem:s11], [sflag:$0x1] =	stream.indirect.gather [spmem:s2], $0x10, s3, s10, $0xb8;
	[tilespmem:$0x14B80] =	vst v63  }
0x2e: {  	s8 =	rddreg [dreg:$0x8]  }
0x2f: {  	[tilespmem:s4], [sflag:$0x1] =	stream.indirect.gather [spmem:s2], $0x10, s10, s10, $0xb8;
	[tilespmem:$0x14B80] =	vst v63  }
0x30: {  	s4 =	rddreg [dreg:$0x7]  }
0x31: {  	[tilespmem:s7], [sflag:$0x1] =	stream.indirect.gather [spmem:s2], $0x10, s5, s10, $0xb8;
	[tilespmem:$0x14B80] =	vst v63  }
0x32: {  	s5 =	rddreg [dreg:$0xa]  }
0x33: {  	s7 =	rddreg [dreg:$0x9]  }
0x34: {  	[tilespmem:s8], [sflag:$0x1] =	stream.indirect.gather [spmem:s2], $0x10, s4, s10, $0xb8;
	[tilespmem:$0x14B80] =	vst v63  }
0x35: {  	s8 =	rddreg [dreg:$0xc]  }
0x36: {  	[tilespmem:s5], [sflag:$0x1] =	stream.indirect.gather [spmem:s2], $0x10, s7, s10, $0xb8;
	[tilespmem:$0x14B80] =	vst v63  }
0x37: {  	s4 =	rddreg [dreg:$0xb]  }
0x38: {  	[tilespmem:s8], [sflag:$0x1] =	stream.indirect.gather [spmem:s2], $0x10, s4, s10, $0xb8;
	[tilespmem:$0x14B80] =	vst v63  }
0x39: {  	_ = 	snop  }
0x3a: {  	[tilespmem:s13], [sflag:$0x1] =	stream.indirect.gather [spmem:s2], $0x10, s12, s10, $0xb8;
	[tilespmem:$0x14B80] =	vst v63  }
0x3b: {  	_ = 	snop  }
0x3c: {  	[tilespmem:s15], [sflag:$0x1] =	stream.indirect.gather [spmem:s2], $0x10, s14, s10, $0xb8;
	[tilespmem:$0x14B80] =	vst v63  }
0x3d: {  	_ = 	snop  }
0x3e: {  	[tilespmem:s17], [sflag:$0x1] =	stream.indirect.gather [spmem:s2], $0x10, s16, s10, $0xb8;
	[tilespmem:$0x14B80] =	vst v63  }
0x3f: {  	_ = 	snop  }
0x40: {  	[tilespmem:s19], [sflag:$0x1] =	stream.indirect.gather [spmem:s2], $0x10, s18, s10, $0xb8;
	[tilespmem:$0x14B80] =	vst v63  }
0x41: {  	_ = 	snop  }
0x42: {  	[tilespmem:s21], [sflag:$0x1] =	stream.indirect.gather [spmem:s2], $0x10, s20, s10, $0xb8;
	[tilespmem:$0x14B80] =	vst v63  }
0x43: {  	_ = 	snop  }
0x44: {  	[tilespmem:s23], [sflag:$0x1] =	stream.indirect.gather [spmem:s2], $0x10, s22, s10, $0xb8;
	[tilespmem:$0x14B80] =	vst v63  }
0x45: {  	_ = 	snop  }
0x46: {  	[tilespmem:s25], [sflag:$0x1] =	stream.indirect.gather [spmem:s2], $0x10, s24, s10, $0xb8;
	[tilespmem:$0x14B80] =	vst v63  }
0x47: {  	_ = 	snop  }
0x48: {  	[tilespmem:s28], [sflag:$0x1] =	stream.indirect.gather [spmem:s2], $0x10, s26, s10, $0xb8;
	[tilespmem:$0x14B80] =	vst v63  }
0x49: {  	_ = 	snop  }
0x4a: {  	[tilespmem:s30], [sflag:$0x1] =	stream.indirect.gather [spmem:s2], $0x10, s29, s10, $0xb8;
	[tilespmem:$0x14B80] =	vst v63  }
0x4b: {  	_ = 	snop  }
0x4c: {  	[tilespmem:s0], [sflag:$0x1] =	stream.indirect.gather [spmem:s2], $0x10, s31, s10, $0xb8;
	[tilespmem:$0x14B80] =	vst v63  }
0x4d: {  	_ =	swait.ge [sflag:s1], $0x800  }
0x4e: {  	[sflag:s1] =	ssyncset.done $0x0  }
0x4f: {  	[sflag:s1] =	ssyncadd.s32 $0xFFFFF800  }
0x50: {  	_ =	swait.ge [sflag:s1], $0x800  }
0x51: {  	[sflag:s1] =	ssyncset.done $0x0  }
0x52: {  	[sflag:s1] =	ssyncadd.s32 $0xFFFFF800  }
0x53: {  	_ =	swait.ge [sflag:s1], $0x800  }
0x54: {  	[sflag:s1] =	ssyncset.done $0x0  }
0x55: {  	[sflag:s1] =	ssyncadd.s32 $0xFFFFF800  }
0x56: {  	_ =	swait.ge [sflag:s1], $0x800  }
0x57: {  	[sflag:s1] =	ssyncset.done $0x0  }
0x58: {  	[sflag:s1] =	ssyncadd.s32 $0xFFFFF800  }
0x59: {  	_ =	swait.ge [sflag:s1], $0x800  }
0x5a: {  	[sflag:s1] =	ssyncset.done $0x0  }
0x5b: {  	[sflag:s1] =	ssyncadd.s32 $0xFFFFF800  }
0x5c: {  	_ =	swait.ge [sflag:s1], $0x800  }
0x5d: {  	[sflag:s1] =	ssyncset.done $0x0  }
0x5e: {  	[sflag:s1] =	ssyncadd.s32 $0xFFFFF800  }
0x5f: {  	_ =	swait.ge [sflag:s1], $0x800  }
0x60: {  	[sflag:s1] =	ssyncset.done $0x0  }
0x61: {  	[sflag:s1] =	ssyncadd.s32 $0xFFFFF800  }
0x62: {  	_ =	swait.ge [sflag:s1], $0x800  }
0x63: {  	[sflag:s1] =	ssyncset.done $0x0  }
0x64: {  	[sflag:s1] =	ssyncadd.s32 $0xFFFFF800  }
0x65: {  	_ =	swait.ge [sflag:s1], $0x800  }
0x66: {  	[sflag:s1] =	ssyncset.done $0x0  }
0x67: {  	[sflag:s1] =	ssyncadd.s32 $0xFFFFF800  }
0x68: {  	_ =	swait.ge [sflag:s1], $0x800  }
0x69: {  	[sflag:s1] =	ssyncset.done $0x0  }
0x6a: {  	[sflag:s1] =	ssyncadd.s32 $0xFFFFF800  }
0x6b: {  	_ =	swait.ge [sflag:s1], $0x800  }
0x6c: {  	[sflag:s1] =	ssyncset.done $0x0  }
0x6d: {  	[sflag:s1] =	ssyncadd.s32 $0xFFFFF800  }
0x6e: {  	_ =	swait.ge [sflag:s1], $0x800  }
0x6f: {  	[sflag:s1] =	ssyncset.done $0x0  }
0x70: {  	[sflag:s1] =	ssyncadd.s32 $0xFFFFF800  }
0x71: {  	_ =	swait.ge [sflag:s1], $0x800  }
0x72: {  	[sflag:s1] =	ssyncset.done $0x0  }
0x73: {  	[sflag:s1] =	ssyncadd.s32 $0xFFFFF800  }
0x74: {  	_ =	swait.ge [sflag:s1], $0x800  }
0x75: {  	[sflag:s1] =	ssyncset.done $0x0  }
0x76: {  	[sflag:s1] =	ssyncadd.s32 $0xFFFFF800  }
0x77: {  	_ =	swait.ge [sflag:s1], $0x800  }
0x78: {  	[sflag:s1] =	ssyncset.done $0x0  }
0x79: {  	[sflag:s1] =	ssyncadd.s32 $0xFFFFF800  }
0x7a: {  	_ =	swait.ge [sflag:s1], $0x800  }
0x7b: {  	[sflag:s1] =	ssyncset.done $0x0;
	s7 =	rddreg [dreg:$0x10]  }
0x7c: {  	s5 =	simm.s32 $0x100;
	[sflag:s1] =	ssyncadd.s32 $0xFFFFF800;
	s6 =	sadd.s32 $0x1000, s7  }
.LBB2_2:
0x7d: {  	[hbm4b:s7+s3] =	stream.linear.scatter [tilespmem:s11], [sflag:$0x2], $0x8000, $0x38;
	[tilespmem:$0x14B80] =	vst v63  }
0x7e: {  	_ =	swait.ge [sflag:s9], $0x8000  }
0x7f: {  	s8 =	smov.u32 s5;
	s4 =	rddreg [dreg:$0x3];
	[sflag:s9] =	ssyncset.done $0x0  }
0x80: {  	[sflag:s9] =	ssyncadd.s32 $0xFFFF8000;
	s4 =	sadd.s32 s8, s4  }
0x81: {  	[tilespmem:s3], [sflag:$0x2] =	stream.linear.gather [hbm4b:s4+s3], $0x800, $0x38;
	[tilespmem:$0x14B80] =	vst v63  }
0x82: {  	_ =	swait.ge [sflag:s9], $0x800  }
0x83: {  	s4 =	rddreg [dreg:$0xc]  }
0x84: {  	s8 =	rddreg [dreg:$0xa]  }
0x85: {  	[sflag:s9] =	ssyncset.done $0x0;
	s12 =	rddreg [dreg:$0x5]  }
0x86: {  	s13 =	rddreg [dreg:$0x4];
	[sflag:s9] =	ssyncadd.s32 $0xFFFFF800  }
0x87: {  	[tilespmem:s11], [sflag:$0x1] =	stream.indirect.gather [spmem:s2], $0x10, s3, s10, $0xb8;
	[tilespmem:$0x14B80] =	vst v63  }
0x88: {  	s14 =	rddreg [dreg:$0x6]  }
0x89: {  	[tilespmem:s13], [sflag:$0x1] =	stream.indirect.gather [spmem:s2], $0x10, s10, s10, $0xb8;
	[tilespmem:$0x14B80] =	vst v63  }
0x8a: {  	s15 =	rddreg [dreg:$0x8]  }
0x8b: {  	[tilespmem:s14], [sflag:$0x1] =	stream.indirect.gather [spmem:s2], $0x10, s12, s10, $0xb8;
	[tilespmem:$0x14B80] =	vst v63  }
0x8c: {  	s13 =	rddreg [dreg:$0x7]  }
0x8d: {  	[tilespmem:s15], [sflag:$0x1] =	stream.indirect.gather [spmem:s2], $0x10, s13, s10, $0xb8;
	[tilespmem:$0x14B80] =	vst v63  }
0x8e: {  	s12 =	rddreg [dreg:$0x9]  }
0x8f: {  	[tilespmem:s8], [sflag:$0x1] =	stream.indirect.gather [spmem:s2], $0x10, s12, s10, $0xb8;
	[tilespmem:$0x14B80] =	vst v63  }
0x90: {  	s13 =	rddreg [dreg:$0xb]  }
0x91: {  	[tilespmem:s4], [sflag:$0x1] =	stream.indirect.gather [spmem:s2], $0x10, s13, s10, $0xb8;
	[tilespmem:$0x14B80] =	vst v63  }
0x92: {  	s12 =	simm.s32 $0x300;
	s13 =	simm.s32 $0x3800  }
0x93: {  	[tilespmem:s13], [sflag:$0x1] =	stream.indirect.gather [spmem:s2], $0x10, s12, s10, $0xb8;
	[tilespmem:$0x14B80] =	vst v63  }
0x94: {  	s14 =	simm.s32 $0x380;
	s15 =	simm.s32 $0x4000  }
0x95: {  	[tilespmem:s15], [sflag:$0x1] =	stream.indirect.gather [spmem:s2], $0x10, s14, s10, $0xb8;
	[tilespmem:$0x14B80] =	vst v63  }
0x96: {  	_ = 	snop  }
0x97: {  	[tilespmem:s17], [sflag:$0x1] =	stream.indirect.gather [spmem:s2], $0x10, s16, s10, $0xb8;
	[tilespmem:$0x14B80] =	vst v63  }
0x98: {  	_ = 	snop  }
0x99: {  	[tilespmem:s19], [sflag:$0x1] =	stream.indirect.gather [spmem:s2], $0x10, s18, s10, $0xb8;
	[tilespmem:$0x14B80] =	vst v63  }
0x9a: {  	_ = 	snop  }
0x9b: {  	[tilespmem:s21], [sflag:$0x1] =	stream.indirect.gather [spmem:s2], $0x10, s20, s10, $0xb8;
	[tilespmem:$0x14B80] =	vst v63  }
0x9c: {  	_ = 	snop  }
0x9d: {  	[tilespmem:s23], [sflag:$0x1] =	stream.indirect.gather [spmem:s2], $0x10, s22, s10, $0xb8;
	[tilespmem:$0x14B80] =	vst v63  }
0x9e: {  	_ = 	snop  }
0x9f: {  	[tilespmem:s25], [sflag:$0x1] =	stream.indirect.gather [spmem:s2], $0x10, s24, s10, $0xb8;
	[tilespmem:$0x14B80] =	vst v63  }
0xa0: {  	_ = 	snop  }
0xa1: {  	[tilespmem:s28], [sflag:$0x1] =	stream.indirect.gather [spmem:s2], $0x10, s26, s10, $0xb8;
	[tilespmem:$0x14B80] =	vst v63  }
0xa2: {  	_ = 	snop  }
0xa3: {  	[tilespmem:s30], [sflag:$0x1] =	stream.indirect.gather [spmem:s2], $0x10, s29, s10, $0xb8;
	[tilespmem:$0x14B80] =	vst v63  }
0xa4: {  	_ = 	snop  }
0xa5: {  	[tilespmem:s0], [sflag:$0x1] =	stream.indirect.gather [spmem:s2], $0x10, s31, s10, $0xb8;
	[tilespmem:$0x14B80] =	vst v63  }
0xa6: {  	_ =	swait.ge [sflag:s1], $0x800  }
0xa7: {  	[sflag:s1] =	ssyncset.done $0x0  }
0xa8: {  	[sflag:s1] =	ssyncadd.s32 $0xFFFFF800  }
0xa9: {  	_ =	swait.ge [sflag:s1], $0x800  }
0xaa: {  	[sflag:s1] =	ssyncset.done $0x0  }
0xab: {  	[sflag:s1] =	ssyncadd.s32 $0xFFFFF800  }
0xac: {  	_ =	swait.ge [sflag:s1], $0x800  }
0xad: {  	[sflag:s1] =	ssyncset.done $0x0  }
0xae: {  	[sflag:s1] =	ssyncadd.s32 $0xFFFFF800  }
0xaf: {  	_ =	swait.ge [sflag:s1], $0x800  }
0xb0: {  	[sflag:s1] =	ssyncset.done $0x0  }
0xb1: {  	[sflag:s1] =	ssyncadd.s32 $0xFFFFF800  }
0xb2: {  	_ =	swait.ge [sflag:s1], $0x800  }
0xb3: {  	[sflag:s1] =	ssyncset.done $0x0  }
0xb4: {  	[sflag:s1] =	ssyncadd.s32 $0xFFFFF800  }
0xb5: {  	_ =	swait.ge [sflag:s1], $0x800  }
0xb6: {  	[sflag:s1] =	ssyncset.done $0x0  }
0xb7: {  	[sflag:s1] =	ssyncadd.s32 $0xFFFFF800  }
0xb8: {  	_ =	swait.ge [sflag:s1], $0x800  }
0xb9: {  	[sflag:s1] =	ssyncset.done $0x0  }
0xba: {  	[sflag:s1] =	ssyncadd.s32 $0xFFFFF800  }
0xbb: {  	_ =	swait.ge [sflag:s1], $0x800  }
0xbc: {  	[sflag:s1] =	ssyncset.done $0x0  }
0xbd: {  	[sflag:s1] =	ssyncadd.s32 $0xFFFFF800  }
0xbe: {  	_ =	swait.ge [sflag:s1], $0x800  }
0xbf: {  	[sflag:s1] =	ssyncset.done $0x0  }
0xc0: {  	[sflag:s1] =	ssyncadd.s32 $0xFFFFF800  }
0xc1: {  	_ =	swait.ge [sflag:s1], $0x800  }
0xc2: {  	[sflag:s1] =	ssyncset.done $0x0  }
0xc3: {  	[sflag:s1] =	ssyncadd.s32 $0xFFFFF800  }
0xc4: {  	_ =	swait.ge [sflag:s1], $0x800  }
0xc5: {  	[sflag:s1] =	ssyncset.done $0x0  }
0xc6: {  	[sflag:s1] =	ssyncadd.s32 $0xFFFFF800  }
0xc7: {  	_ =	swait.ge [sflag:s1], $0x800  }
0xc8: {  	[sflag:s1] =	ssyncset.done $0x0  }
0xc9: {  	[sflag:s1] =	ssyncadd.s32 $0xFFFFF800  }
0xca: {  	_ =	swait.ge [sflag:s1], $0x800  }
0xcb: {  	[sflag:s1] =	ssyncset.done $0x0  }
0xcc: {  	[sflag:s1] =	ssyncadd.s32 $0xFFFFF800  }
0xcd: {  	_ =	swait.ge [sflag:s1], $0x800  }
0xce: {  	[sflag:s1] =	ssyncset.done $0x0  }
0xcf: {  	[sflag:s1] =	ssyncadd.s32 $0xFFFFF800  }
0xd0: {  	p0 =	sne.s32 s5, $0x4900;
	_ =	swait.ge [sflag:s1], $0x800  }
.Ltmp0:
0xd1: {  	[sflag:s1] =	ssyncset.done $0x0;
	(pc) =	sbr.rel @p0 .LBB2_2-.Ltmp0, $4  }
0xd2: {  	[sflag:s1] =	ssyncadd.s32 $0xFFFFF800  }
0xd3: {  	_ =	swait.ge [sflag:s1], $0x800  }
0xd4: {  	s7 =	smov.u32 s6;
	[sflag:s1] =	ssyncset.done $0x0  }
0xd5: {  	s5 =	sadd.s32 $0x100, s5;
	s6 =	sadd.s32 $0x1000, s6;
	[sflag:s1] =	ssyncadd.s32 $0xFFFFF800  }
0xd6: {  	[hbm4b:s7+s3] =	stream.linear.scatter [tilespmem:s11], [sflag:$0x2], $0x8000, $0x38;
	[tilespmem:$0x14B80] =	vst v63  }
0xd7: {  	_ =	swait.ge [sflag:s9], $0x8000  }
0xd8: {  	s5 =	rddreg [dreg:$0x12]  }
0xd9: {  	s4 =	rddreg [dreg:$0xf];
	s5 =	sadd.s32 $0x1, s5  }
0xda: {  	p0 =	sne.s32 s5, s4  }
.Ltmp1:
0xdb: {  	_ = 	snop;
	(pc) =	sbr.rel @p0 .LBB2_1-.Ltmp1, $3  }
0xdc: {  	_ =	sdelay $0x1  }
0xdd: {  	[sflag:s9] =	ssyncset.done $0x0  }
0xde: {  	[sflag:s9] =	ssyncadd.s32 $0xFFFF8000  }
0xdf: {  	_ =	sfence.sel $0x180000  }
0xe0: {  	[bflag:$0x0] =	sbarrier.arrive $0xFFFF  }
0xe1: {  	_ =	strace $0x90000047  }
0xe2: {  	s0 =	stileid.u32;
	[bflag:$0x2] =	sbarrier.arrive $0xFFFF  }
0xe3: {  	p0 =	sne.s32 s0, $0x0;
	s0 =	rddreg [dreg:$0x2]  }
0xe4: {  	s0 =	sadd.s32 @!p0 $0x100000, s0  }
0xe5: {  	[sflag:s0] =	ssyncadd.tile.s32 @!p0 $0x1;
	_ =	shalt  }
.Lfunc_end2:
_tile_overlayer_lowered:
.L_overlay_start_2:
0xe6: {  	(tag) =	ssettag $0x2  }
0xe7: {  	s0 =	rddreg [dreg:$0x0];
	s2 =	stileid.u32  }
0xe8: {  	s1 =	rddreg [dreg:$0x1];
	p0 =	sne.s32 s2, $0x0  }
0xe9: {  	s3 =	rddreg [dreg:$0x2];
	[bflag:$0x3] =	sbarrier.arrive $0xFFFF;
	s2 =	simm.s32 @!p0 $0x1C02  }
0xea: {  	[timem:s3], [sflag:s2] =	dma.local @!p0 [hbm:s0], s1  }
0xeb: {  	s0 =	simm.s32 @!p0 $0x2  }
0xec: {  	_ =	swait.ge @!p0 [sflag:s0], s1  }
0xed: {  	s1 =	ssub.s32 @!p0 $0x0, s1;
	[sflag:s0] =	ssyncset.done @!p0 $0x0  }
0xee: {  	[sflag:s0] =	ssyncadd.s32 @!p0 s1  }
0xef: {  	[bflag:$0x3] =	sbarrier.arrive $0xFFFF  }
0xf0: {  	_ =	shalt  }

// kernel: kernel.9.cloned.1.call-start
scs
__scs_entry_jumppad:
0x0: {  	(pc) =	sbr.rel $0x88, $3  }
0x1: {  	(tag) =	ssettag $0x0;
	lr =	simm.s32 $0x1  }
0x2: {  	[smem:$0x3F8A] =	sst lr;
	_ =	strace $0xD0000000  }
0x3: {  	_ = 	snop  }
0x4: {  	_ = 	snop  }
0x5: {  	_ = 	snop  }
0x6: {  	_ = 	snop  }
0x7: {  	_ = 	snop  }
__scs_overlays_trampoline_lowered:
0x8: {  	[smem:$0x3F99] =	sst s0  }
0x9: {  	[smem:$0x3F9A] =	sst s1  }
0xa: {  	[smem:$0x3F9B] =	sst s2  }
0xb: {  	[smem:$0x3F9C] =	sst s3  }
0xc: {  	[smem:$0x3F9D] =	sst s4  }
0xd: {  	[smem:$0x3F9E] =	sst s5  }
0xe: {  	[smem:$0x3F9F] =	sst s6  }
0xf: {  	[smem:$0x3FA0] =	sst s7  }
0x10: {  	[smem:$0x3FA1] =	sst s8  }
0x11: {  	[smem:$0x3FA2] =	sst s9;
	s0 =	simm.s32 @!p0 $0x0  }
0x12: {  	s1 =	sld [smem:$0x3F88];
	s0 =	simm.s32 @p0 $0x1  }
0x13: {  	[smem:$0x3FA3] =	sst s0;
	s0 =	simm.s32 @!p1 $0x0  }
0x14: {  	s2 =	sld [smem:$0x3F87];
	s0 =	simm.s32 @p1 $0x1  }
0x15: {  	[smem:$0x3FA4] =	sst s0;
	s0 =	simm.s32 @!p2 $0x0  }
0x16: {  	s3 =	sld [smem:$0x3FDB];
	s0 =	simm.s32 @p2 $0x1  }
0x17: {  	s4 =	simm.s32 $0x1BF5;
	[smem:$0x3FA6] =	sst s0  }
0x18: {  	s0 =	sld [smem:$0x3F89];
	_ =	swait.ge [sflag:s4], $0x0  }
0x19: {  	s7 =	sld [smem:$0x3F8A]  }
0x1a: {  	s8 =	sadd.s32 $0xFFFFE003, lr  }
0x1b: {  	s9 =	sadd.s32 $0xFFFFFEF7, lr;
	s5 =	simm.s32 $0xFFFFFFFF;
	p2 =	slt.u32 s8, $0xFFFFF086  }
0x1c: {  	p1 =	slt.u32 s9, $0xF7A;
	s5 =	simm.s32 @!p2 $0x0  }
0x1d: {  	s5 =	simm.s32 @p1 $0x1;
	p0 =	seq.s32 s7, s2  }
0x1e: {  	s7 =	smul.u32 @!p0 $0xF7A, s2;
	p2 =	seq.s32 @!p0 s5, $0x0  }
0x1f: {  	s9 =	smul.u32 $0xF7A, s1;
	s8 =	simm.s32 @!p0 $0x1BF5;
	p2 =	por !p2, p0  }
0x20: {  	[sflag:s8] =	ssyncset.s32 @!p0 $0xFFFFF086;
	s6 =	sadd.s32 @!p0 s3, s7;
	s7 =	simm.s32 @!p0 $0x108  }
0x21: {  	s3 =	sadd.s32 s3, s9;
	s6 =	sadd.s32 @!p0 $0x88, s6;
	s7 =	simm.s32 @p2 $0x1082  }
0x22: {  	[simem:s7], [sflag:s8] =	dma.local @!p0 [hbm:s6], $0xF7A  }
0x23: {  	s9 =	sor.u32 $0xD0000000, s2;
	s6 =	simm.s32 $0x108;
	_ =	swait.ge @!p0 [sflag:s8], $0x0  }
0x24: {  	s3 =	sadd.s32 $0x88, s3;
	s6 =	simm.s32 @!p1 $0x1082;
	[sflag:s4] =	ssyncset.s32 $0xFFFFF086  }
0x25: {  	[simem:s6], [sflag:s4] =	dma.local [hbm:s3], $0xF7A  }
0x26: {  	[smem:$0x3F8A] =	sst s1;
	(tag) =	ssettag s2;
	_ =	strace s9  }
0x27: {  	s1 =	sld [smem:$0x3F9A]  }
0x28: {  	s2 =	sld [smem:$0x3F9B]  }
0x29: {  	s4 =	sld [smem:$0x3F9D]  }
0x2a: {  	p0 =	seq.s32 s5, $0x0;
	s5 =	sld [smem:$0x3F9E]  }
0x2b: {  	s6 =	sld [smem:$0x3F9F]  }
0x2c: {  	s7 =	sld [smem:$0x3FA0]  }
0x2d: {  	s3 =	simm.s32 $0x108;
	s8 =	sld [smem:$0x3FA1]  }
0x2e: {  	s3 =	simm.s32 @!p0 $0x1082;
	s9 =	sld [smem:$0x3FA2]  }
0x2f: {  	lr =	sadd.s32 s0, s3;
	s0 =	sld [smem:$0x3F99]  }
0x30: {  	s3 =	sld [smem:$0x3F9C]  }
0x31: {  	[smem:$0x3FA5] =	sst s10  }
0x32: {  	s10 =	sld [smem:$0x3FA3];
	_ =	sdelay $0x3  }
0x33: {  	p0 =	seq.s32 s10, $0x1;
	s10 =	sld [smem:$0x3FA5];
	_ =	sdelay $0x3  }
0x34: {  	[smem:$0x3FA5] =	sst s10  }
0x35: {  	s10 =	sld [smem:$0x3FA4];
	_ =	sdelay $0x3  }
0x36: {  	p1 =	seq.s32 s10, $0x1;
	s10 =	sld [smem:$0x3FA5];
	_ =	sdelay $0x3  }
0x37: {  	[smem:$0x3FA5] =	sst s10  }
0x38: {  	s10 =	sld [smem:$0x3FA6]  }
0x39: {  	_ = 	snop;
	(pc) =	sbr.ind lr, $3  }
0x3a: {  	_ = 	snop  }
0x3b: {  	_ = 	snop  }
0x3c: {  	p2 =	seq.s32 s10, $0x1;
	s10 =	sld [smem:$0x3FA5]  }
0x3d: {  	_ =	shalt  }
0x3e: {  	_ =	shalt  }
0x3f: {  	_ =	shalt  }
0x40: {  	_ =	shalt  }
0x41: {  	_ =	shalt  }
0x42: {  	_ =	shalt  }
0x43: {  	_ =	shalt  }
0x44: {  	_ =	shalt  }
0x45: {  	_ =	shalt  }
0x46: {  	_ =	shalt  }
0x47: {  	_ =	shalt  }
0x48: {  	_ =	shalt  }
0x49: {  	_ =	shalt  }
0x4a: {  	_ =	shalt  }
0x4b: {  	_ =	shalt  }
0x4c: {  	_ =	shalt  }
0x4d: {  	_ =	shalt  }
0x4e: {  	_ =	shalt  }
0x4f: {  	_ =	shalt  }
0x50: {  	_ =	shalt  }
0x51: {  	_ =	shalt  }
0x52: {  	_ =	shalt  }
0x53: {  	_ =	shalt  }
0x54: {  	_ =	shalt  }
0x55: {  	_ =	shalt  }
0x56: {  	_ =	shalt  }
0x57: {  	_ =	shalt  }
0x58: {  	_ =	shalt  }
0x59: {  	_ =	shalt  }
0x5a: {  	_ =	shalt  }
0x5b: {  	_ =	shalt  }
0x5c: {  	_ =	shalt  }
0x5d: {  	_ =	shalt  }
0x5e: {  	_ =	shalt  }
0x5f: {  	_ =	shalt  }
0x60: {  	_ =	shalt  }
0x61: {  	_ =	shalt  }
0x62: {  	_ =	shalt  }
0x63: {  	_ =	shalt  }
0x64: {  	_ =	shalt  }
0x65: {  	_ =	shalt  }
0x66: {  	_ =	shalt  }
0x67: {  	_ =	shalt  }
0x68: {  	_ =	shalt  }
0x69: {  	_ =	shalt  }
0x6a: {  	_ =	shalt  }
0x6b: {  	_ =	shalt  }
0x6c: {  	_ =	shalt  }
0x6d: {  	_ =	shalt  }
0x6e: {  	_ =	shalt  }
0x6f: {  	_ =	shalt  }
0x70: {  	_ =	shalt  }
0x71: {  	_ =	shalt  }
0x72: {  	_ =	shalt  }
0x73: {  	_ =	shalt  }
0x74: {  	_ =	shalt  }
0x75: {  	_ =	shalt  }
0x76: {  	_ =	shalt  }
0x77: {  	_ =	shalt  }
0x78: {  	_ =	shalt  }
0x79: {  	_ =	shalt  }
0x7a: {  	_ =	shalt  }
0x7b: {  	_ =	shalt  }
0x7c: {  	_ =	shalt  }
0x7d: {  	_ =	shalt  }
0x7e: {  	_ =	shalt  }
0x7f: {  	_ =	shalt  }
0x80: {  	_ =	shalt  }
0x81: {  	_ =	shalt  }
0x82: {  	_ =	shalt  }
0x83: {  	_ =	shalt  }
0x84: {  	_ =	shalt  }
0x85: {  	_ =	shalt  }
0x86: {  	_ =	shalt  }
0x87: {  	_ =	shalt  }
.Lfunc_end0:
.L_simem_size_0:
called_computation.1_lowered:
.L_overlay_start_0:
0x88: {  	s2 =	sld [smem:$0x3FD9]  }
0x89: {  	s3 =	sld [smem:$0x3FFE];
	_ =	sdelay $0x1  }
0x8a: {  	s1 =	srdreg.scid  }
0x8b: {  	s0 =	sand.u32 $0x1, s1  }
0x8c: {  	s16 =	sshll.u32 s0, $0xA;
	s2 =	sadd.s32 s3, s2  }
0x8d: {  	s2 =	sadd.s32 s2, s16  }
0x8e: {  	[smem:$0x3FB1] =	sst s2  }
0x8f: {  	_ = 	snop  }
0x90: {  	(tm) =	ssettm $0x1  }
0x91: {  	s17 =	sld [smem:$0x3FFB];
	_ =	sdelay $0x3  }
0x92: {  	_ =	strace s17  }
0x93: {  	s2 =	sld [smem:$0x3FFC];
	_ =	sdelay $0x3  }
0x94: {  	_ =	strace s2  }
0x95: {  	s2 =	sld [smem:$0x3FFD];
	_ =	sdelay $0x3  }
0x96: {  	_ =	strace s2  }
0x97: {  	_ =	strace $0x8FFFFFFF  }
0x98: {  	s18 =	sld [smem:$0x3FDB];
	_ =	sdelay $0x1  }
0x99: {  	s19 =	simm.s32 $_scs_section_size  }
0x9a: {  	s4 =	simm.s32 $_size__tile_overlayer_lowered;
	s5 =	simm.s32 $_tile_overlayer_lowered  }
0x9b: {  	s22 =	simm.s32 $0x1BFF;
	s21 =	sshll.u32 s5, $0x1;
	s2 =	sadd.s32 s19, s18  }
0x9c: {  	s6 =	simm.s32 $0x0;
	s20 =	sshll.u32 s4, $0x1;
	s4 =	sadd.s32 s21, s2  }
0x9d: {  	[timem:s6], [sflag:s22] =	dma.local [hbm:s4], s20  }
0x9e: {  	_ =	swait.ge [sflag:s22], s20  }
0x9f: {  	s3 =	ssub.s32 $0x0, s20;
	[sflag:s22] =	ssyncset.done $0x0  }
0xa0: {  	[sflag:s22] =	ssyncadd.s32 s3;
	_ =	sdelay $0x1  }
0xa1: {  	s23 =	simm.s32 $0x1B8B  }
0xa2: {  	_ =	swait.ge [sflag:s23], $0x1  }
0xa3: {  	[sflag:s23] =	ssyncset.done $0x0  }
0xa4: {  	s25 =	simm.s32 $0x1B8E;
	s24 =	sld [smem:$0x3FFE];
	[sflag:s23] =	ssyncadd.s32 $0xFFFFFFFF  }
0xa5: {  	s26 =	simm.s32 $execute0_lowered;
	[smem:$0x3FD2] =	sst s25  }
0xa6: {  	s4 =	sshll.u32 s26, $0x1;
	_ =	strace $0x80000049;
	[dreg:$0x1] =	wrdreg $0xFFFFFFFF  }
0xa7: {  	s28 =	simm.s32 $_size_execute0_lowered;
	s2 =	sadd.s32 s2, s4;
	[dreg:$0x0] =	wrdreg $0x0  }
0xa8: {  	s4 =	sshll.u32 s28, $0x1;
	[dreg:$0x2] =	wrdreg s2  }
0xa9: {  	[dreg:$0x3] =	wrdreg s4  }
0xaa: {  	[dreg:$0x4] =	wrdreg $0xC0  }
0xab: {  	_ =	task [dreg:s6], $0x5FFFF  }
0xac: {  	[dreg:$0x1] =	wrdreg $0xFFFFFFFF  }
0xad: {  	[dreg:$0x0] =	wrdreg $0x60  }
0xae: {  	[dreg:$0x2] =	wrdreg s24  }
0xaf: {  	[dreg:$0x3] =	wrdreg $0x42000  }
0xb0: {  	[dreg:$0x4] =	wrdreg $0x9  }
0xb1: {  	_ =	task.clear_ibuf [dreg:s6], $0x5FFFF;
	_ =	strace $0x90000049  }
0xb2: {  	s29 =	simm.s32 $0x9;
	_ =	strace $0x8000004B  }
0xb3: {  	_ =	swait.ge [sflag:s29], $0x1  }
0xb4: {  	[sflag:s29] =	ssyncadd.s32 $0xFFFFFFFF  }
0xb5: {  	_ =	strace $0x9000004B  }
0xb6: {  	_ =	sfence  }
0xb7: {  	s30 =	sld [smem:$0x0];
	_ =	sdelay $0x2  }
0xb8: {  	s31 =	sshll.u32 s1, $0xD;
	s1 =	sshrl.u32 s1, $0x2  }
0xb9: {  	s3 =	sand.u32 $0x4000, s31;
	s1 =	sadd.s32 s1, s30  }
0xba: {  	s0 =	sor.u32 s3, s0;
	s1 =	sshll.u32 s1, $0x11  }
0xbb: {  	s0 =	sor.u32 s1, s0  }
0xbc: {  	s0 =	sadd.s32 $0x8F2B, s0  }
0xbd: {  	[sflag:s0] =	ssyncadd.remote.s32 $0x1  }
0xbe: {  	_ =	sfence.sel $0xFFFF  }
0xbf: {  	[dreg:$0x0] =	wrdreg $0xFFFFFFFF;
	(pc) =	sbr.abs _section_cstart, $3  }
0xc0: {  	[dreg:$0x1] =	wrdreg $0xFFFFFFFF  }
0xc1: {  	_ =	task.clear_ibuf [dreg:s6], $0x2FFFF;
	_ =	strace $0x9FFFFFFF  }
0xc2: {  	(tm) =	ssettm $0x7FFFFFFF  }
0xc3: {  	_ =	shalt  }
tec
execute0_lowered:
.L_overlay_start_1:
0x0: {  	(tag) =	ssettag $0x1  }
0x1: {  	s1 =	stileid.u32  }
0x2: {  	s4 =	rddreg [dreg:$0x0];
	s5 =	smul.u32 $0x18700, s1  }
0x3: {  	s2 =	rddreg [dreg:$0x1];
	s21 =	smul.u32 $0xC38, s1  }
0x4: {  	s0 =	rddreg [dreg:$0x2];
	s15 =	smul.u32 $0x31000, s1  }
0x5: {  	s6 =	srdreg.scid;
	s3 =	simm.s32 $0x0;
	s17 =	smul.u32 $0x6400, s1  }
0x6: {  	s18 =	simm.s32 $0x100;
	s9 =	sand.u32 $0x1, s6;
	s29 =	smul.u32 $0x1880, s1  }
0x7: {  	s19 =	simm.s32 $0x2200;
	s20 =	simm.s32 $0x180;
	s7 =	smul.u32 $0xC380, s9  }
0x8: {  	[smem:$0x7FF] =	sst s3;
	s11 =	sadd.s32 $0xB47400, s4;
	s13 =	smul.u32 $0x310000, s9  }
0x9: {  	s12 =	sadd.s32 $0xAFD400, s4;
	s25 =	sshll.u32 s1, $0x6;
	s16 =	smul.u32 $0x64000, s9  }
0xa: {  	_ =	strace $0x8000004A;
	s23 =	ssub.s32 $0x2, s9;
	s26 =	smul.u32 $0x18800, s9  }
0xb: {  	s8 =	sshrl.u32 s5, $0x3;
	s24 =	sshrl.u32 s23, $0x1;
	s14 =	sadd.s32 s5, s2  }
0xc: {  	s5 =	sor.u32 $0x1C01, s25;
	s6 =	sadd.s32 s21, s7;
	s22 =	sadd.s32 s8, s4  }
0xd: {  	s8 =	ssub.s32 s23, s24;
	s28 =	sadd.s32 s13, s11;
	s16 =	sadd.s32 s17, s16  }
0xe: {  	s13 =	sshrl.u32 s14, $0x3;
	s14 =	simm.s32 $0x1;
	s17 =	simm.s32 $0x1200  }
0xf: {  	s21 =	simm.s32 $0x3200;
	s6 =	sshll.u32 s6, $0x2;
	s8 =	smax.u32 s8, $0x1  }
0x10: {  	s9 =	sadd.s32 s15, s28;
	s30 =	sadd.s32 $0x188000, s16;
	s16 =	simm.s32 $0x80  }
0x11: {  	s10 =	sadd.s32 s6, s4;
	s4 =	sadd.s32 $0x3E00, s22;
	s31 =	sshll.u32 s30, $0x2  }
0x12: {  	s15 =	sshrl.u32 s30, $0x3;
	s22 =	simm.s32 $0x0;
	s6 =	sadd.s32 $0x34C00, s10  }
0x13: {  	s7 =	sadd.s32 $0x1A4C00, s10;
	s10 =	sadd.s32 s26, s12;
	s11 =	sadd.s32 s31, s11  }
0x14: {  	s12 =	sadd.s32 s15, s12;
	s15 =	simm.s32 $0x200;
	s10 =	sadd.s32 s29, s10  }
.LBB2_1:
0x15: {  	[spmem:s13], [sflag:s5] =	dma.local [hbm:s4], $0x30E0  }
0x16: {  	_ =	swait.ge [sflag:s14], $0x30E0  }
0x17: {  	[sflag:s14] =	ssyncset.done $0x0  }
0x18: {  	[sflag:s14] =	ssyncadd.s32 $0xFFFFCF20  }
0x19: {  	s23 =	sadd.s32 $0x0, s10;
	[bflag:$0x0] =	sbarrier.arrive $0xFFFF  }
0x1a: {  	[tilespmem:s3], [sflag:$0x1] =	stream.linear.gather [hbm4b:s23+s3], $0x200, $0x38;
	[tilespmem:$0x1C900] =	vst v63  }
0x1b: {  	_ =	swait.ge [sflag:s14], $0x200  }
0x1c: {  	[sflag:s14] =	ssyncset.done $0x0  }
0x1d: {  	[sflag:s14] =	ssyncadd.s32 $0xFFFFFE00  }
0x1e: {  	[tilespmem:s15], [sflag:$0x1] =	stream.linear.gather [hbm4b:s9+s3], $0x4000, $0x38;
	[tilespmem:$0x1C900] =	vst v63  }
0x1f: {  	_ =	swait.ge [sflag:s14], $0x4000  }
0x20: {  	[sflag:s14] =	ssyncset.done $0x0  }
0x21: {  	[sflag:s14] =	ssyncadd.s32 $0xFFFFC000  }
0x22: {  	[spmem:s2] =	stream.indirect.scatter.add.f32 [tilespmem:s15], [sflag:$0x1], $0x20, s3, s16, $0xb8;
	[tilespmem:$0x1C900] =	vst v63  }
0x23: {  	_ =	swait.ge [sflag:s14], $0x1000  }
0x24: {  	[sflag:s14] =	ssyncset.done $0x0  }
0x25: {  	[sflag:s14] =	ssyncadd.s32 $0xFFFFF000  }
0x26: {  	[spmem:s2] =	stream.indirect.scatter.add.f32 [tilespmem:s17], [sflag:$0x1], $0x20, s16, s16, $0xb8;
	[tilespmem:$0x1C900] =	vst v63  }
0x27: {  	_ =	swait.ge [sflag:s14], $0x1000  }
0x28: {  	[sflag:s14] =	ssyncset.done $0x0  }
0x29: {  	[sflag:s14] =	ssyncadd.s32 $0xFFFFF000  }
0x2a: {  	[spmem:s2] =	stream.indirect.scatter.add.f32 [tilespmem:s19], [sflag:$0x1], $0x20, s18, s16, $0xb8;
	[tilespmem:$0x1C900] =	vst v63  }
0x2b: {  	_ =	swait.ge [sflag:s14], $0x1000  }
0x2c: {  	[sflag:s14] =	ssyncset.done $0x0  }
0x2d: {  	[sflag:s14] =	ssyncadd.s32 $0xFFFFF000  }
0x2e: {  	[spmem:s2] =	stream.indirect.scatter.add.f32 [tilespmem:s21], [sflag:$0x1], $0x20, s20, s16, $0xb8;
	[tilespmem:$0x1C900] =	vst v63  }
0x2f: {  	s24 =	simm.s32 $0x40;
	_ =	swait.ge [sflag:s14], $0x1000  }
0x30: {  	s25 =	simm.s32 $0x80;
	s23 =	sadd.s32 $0x800, s9;
	[sflag:s14] =	ssyncset.done $0x0  }
.LBB2_2:
0x31: {  	s26 =	sadd.s32 s24, s10  }
0x32: {  	[sflag:s14] =	ssyncadd.s32 $0xFFFFF000;
	s24 =	smov.u32 s25;
	s28 =	sadd.s32 $0x40, s25  }
0x33: {  	[tilespmem:s3], [sflag:$0x1] =	stream.linear.gather [hbm4b:s26+s3], $0x200, $0x38;
	[tilespmem:$0x1C900] =	vst v63  }
0x34: {  	p0 =	sne.s32 s25, $0x1840;
	_ =	swait.ge [sflag:s14], $0x200  }
0x35: {  	[sflag:s14] =	ssyncset.done $0x0  }
0x36: {  	[sflag:s14] =	ssyncadd.s32 $0xFFFFFE00  }
0x37: {  	[tilespmem:s15], [sflag:$0x1] =	stream.linear.gather [hbm4b:s23+s3], $0x4000, $0x38;
	[tilespmem:$0x1C900] =	vst v63  }
0x38: {  	_ =	swait.ge [sflag:s14], $0x4000  }
0x39: {  	[sflag:s14] =	ssyncset.done $0x0  }
0x3a: {  	[sflag:s14] =	ssyncadd.s32 $0xFFFFC000  }
0x3b: {  	[spmem:s2] =	stream.indirect.scatter.add.f32 [tilespmem:s15], [sflag:$0x1], $0x20, s3, s16, $0xb8;
	[tilespmem:$0x1C900] =	vst v63  }
0x3c: {  	_ =	swait.ge [sflag:s14], $0x1000  }
0x3d: {  	[sflag:s14] =	ssyncset.done $0x0  }
0x3e: {  	[sflag:s14] =	ssyncadd.s32 $0xFFFFF000  }
0x3f: {  	[spmem:s2] =	stream.indirect.scatter.add.f32 [tilespmem:s17], [sflag:$0x1], $0x20, s16, s16, $0xb8;
	[tilespmem:$0x1C900] =	vst v63  }
0x40: {  	_ =	swait.ge [sflag:s14], $0x1000  }
0x41: {  	[sflag:s14] =	ssyncset.done $0x0  }
0x42: {  	[sflag:s14] =	ssyncadd.s32 $0xFFFFF000  }
0x43: {  	[spmem:s2] =	stream.indirect.scatter.add.f32 [tilespmem:s19], [sflag:$0x1], $0x20, s18, s16, $0xb8;
	[tilespmem:$0x1C900] =	vst v63  }
0x44: {  	_ =	swait.ge [sflag:s14], $0x1000  }
.Ltmp0:
0x45: {  	[sflag:s14] =	ssyncset.done $0x0;
	(pc) =	sbr.rel @p0 .LBB2_2-.Ltmp0, $4  }
0x46: {  	[sflag:s14] =	ssyncadd.s32 $0xFFFFF000  }
0x47: {  	[spmem:s2] =	stream.indirect.scatter.add.f32 [tilespmem:s21], [sflag:$0x1], $0x20, s20, s16, $0xb8;
	[tilespmem:$0x1C900] =	vst v63  }
0x48: {  	_ =	swait.ge [sflag:s14], $0x1000  }
0x49: {  	s25 =	smov.u32 s28;
	s23 =	sadd.s32 $0x800, s23;
	[sflag:s14] =	ssyncset.done $0x0  }
0x4a: {  	s24 =	sadd.s32 s24, s10;
	[sflag:s14] =	ssyncadd.s32 $0xFFFFF000  }
0x4b: {  	[tilespmem:s3], [sflag:$0x1] =	stream.linear.gather [hbm4b:s24+s3], $0x200, $0x38;
	[tilespmem:$0x1C900] =	vst v63  }
0x4c: {  	_ =	swait.ge [sflag:s14], $0x200  }
0x4d: {  	[sflag:s14] =	ssyncset.done $0x0  }
0x4e: {  	[sflag:s14] =	ssyncadd.s32 $0xFFFFFE00  }
0x4f: {  	[tilespmem:s15], [sflag:$0x1] =	stream.linear.gather [hbm4b:s23+s3], $0x4000, $0x38;
	[tilespmem:$0x1C900] =	vst v63  }
0x50: {  	_ =	swait.ge [sflag:s14], $0x4000  }
0x51: {  	[sflag:s14] =	ssyncset.done $0x0  }
0x52: {  	[sflag:s14] =	ssyncadd.s32 $0xFFFFC000  }
0x53: {  	[spmem:s2] =	stream.indirect.scatter.add.f32 [tilespmem:s15], [sflag:$0x1], $0x20, s3, s16, $0xb8;
	[tilespmem:$0x1C900] =	vst v63  }
0x54: {  	_ =	swait.ge [sflag:s14], $0x1000  }
0x55: {  	[sflag:s14] =	ssyncset.done $0x0  }
0x56: {  	[sflag:s14] =	ssyncadd.s32 $0xFFFFF000  }
0x57: {  	[spmem:s2] =	stream.indirect.scatter.add.f32 [tilespmem:s17], [sflag:$0x1], $0x20, s16, s16, $0xb8;
	[tilespmem:$0x1C900] =	vst v63  }
0x58: {  	_ =	swait.ge [sflag:s14], $0x1000  }
0x59: {  	[sflag:s14] =	ssyncset.done $0x0  }
0x5a: {  	[sflag:s14] =	ssyncadd.s32 $0xFFFFF000  }
0x5b: {  	[spmem:s2] =	stream.indirect.scatter.add.f32 [tilespmem:s19], [sflag:$0x1], $0x20, s18, s16, $0xb8;
	[tilespmem:$0x1C900] =	vst v63  }
0x5c: {  	_ =	swait.ge [sflag:s14], $0x1000  }
0x5d: {  	[sflag:s14] =	ssyncset.done $0x0  }
0x5e: {  	[sflag:s14] =	ssyncadd.s32 $0xFFFFF000  }
0x5f: {  	[spmem:s2] =	stream.indirect.scatter.add.f32 [tilespmem:s21], [sflag:$0x1], $0x20, s20, s16, $0xb8;
	[tilespmem:$0x1C900] =	vst v63  }
0x60: {  	_ =	swait.ge [sflag:s14], $0x1000  }
0x61: {  	[sflag:s14] =	ssyncset.done $0x0  }
0x62: {  	[sflag:s14] =	ssyncadd.s32 $0xFFFFF000  }
0x63: {  	[bflag:$0x0] =	sbarrier.arrive $0xFFFF  }
0x64: {  	[hbm:s6], [sflag:s5] =	dma.local [spmem:s13], $0x30E0  }
0x65: {  	_ =	swait.ge [sflag:s14], $0x30E0  }
0x66: {  	[sflag:s14] =	ssyncset.done $0x0  }
0x67: {  	[sflag:s14] =	ssyncadd.s32 $0xFFFFCF20  }
0x68: {  	[bflag:$0x0] =	sbarrier.arrive $0xFFFF  }
0x69: {  	[spmem:s13], [sflag:s5] =	dma.local [hbm:s4], $0x30E0  }
0x6a: {  	_ =	swait.ge [sflag:s14], $0x30E0  }
0x6b: {  	[sflag:s14] =	ssyncset.done $0x0  }
0x6c: {  	[sflag:s14] =	ssyncadd.s32 $0xFFFFCF20  }
0x6d: {  	s31 =	sadd.s32 $0x0, s12;
	[bflag:$0x0] =	sbarrier.arrive $0xFFFF  }
0x6e: {  	[tilespmem:s3], [sflag:$0x1] =	stream.linear.gather [hbm4b:s31+s3], $0x200, $0x38;
	[tilespmem:$0x1C900] =	vst v63  }
0x6f: {  	_ =	swait.ge [sflag:s14], $0x200  }
0x70: {  	[sflag:s14] =	ssyncset.done $0x0  }
0x71: {  	[sflag:s14] =	ssyncadd.s32 $0xFFFFFE00  }
0x72: {  	[tilespmem:s15], [sflag:$0x1] =	stream.linear.gather [hbm4b:s11+s3], $0x4000, $0x38;
	[tilespmem:$0x1C900] =	vst v63  }
0x73: {  	_ =	swait.ge [sflag:s14], $0x4000  }
0x74: {  	[sflag:s14] =	ssyncset.done $0x0  }
0x75: {  	[sflag:s14] =	ssyncadd.s32 $0xFFFFC000  }
0x76: {  	[spmem:s2] =	stream.indirect.scatter.add.f32 [tilespmem:s15], [sflag:$0x1], $0x20, s3, s16, $0xb8;
	[tilespmem:$0x1C900] =	vst v63  }
0x77: {  	_ =	swait.ge [sflag:s14], $0x1000  }
0x78: {  	[sflag:s14] =	ssyncset.done $0x0  }
0x79: {  	[sflag:s14] =	ssyncadd.s32 $0xFFFFF000  }
0x7a: {  	[spmem:s2] =	stream.indirect.scatter.add.f32 [tilespmem:s17], [sflag:$0x1], $0x20, s16, s16, $0xb8;
	[tilespmem:$0x1C900] =	vst v63  }
0x7b: {  	_ =	swait.ge [sflag:s14], $0x1000  }
0x7c: {  	[sflag:s14] =	ssyncset.done $0x0  }
0x7d: {  	[sflag:s14] =	ssyncadd.s32 $0xFFFFF000  }
0x7e: {  	[spmem:s2] =	stream.indirect.scatter.add.f32 [tilespmem:s19], [sflag:$0x1], $0x20, s18, s16, $0xb8;
	[tilespmem:$0x1C900] =	vst v63  }
0x7f: {  	_ =	swait.ge [sflag:s14], $0x1000  }
0x80: {  	[sflag:s14] =	ssyncset.done $0x0  }
0x81: {  	[sflag:s14] =	ssyncadd.s32 $0xFFFFF000  }
0x82: {  	[spmem:s2] =	stream.indirect.scatter.add.f32 [tilespmem:s21], [sflag:$0x1], $0x20, s20, s16, $0xb8;
	[tilespmem:$0x1C900] =	vst v63  }
0x83: {  	s25 =	simm.s32 $0x80;
	_ =	swait.ge [sflag:s14], $0x1000  }
0x84: {  	s24 =	simm.s32 $0x40;
	s23 =	sadd.s32 $0x800, s11;
	[sflag:s14] =	ssyncset.done $0x0  }
.LBB2_4:
0x85: {  	s26 =	sadd.s32 s24, s12  }
0x86: {  	[sflag:s14] =	ssyncadd.s32 $0xFFFFF000;
	s24 =	smov.u32 s25;
	s28 =	sadd.s32 $0x40, s25  }
0x87: {  	[tilespmem:s3], [sflag:$0x1] =	stream.linear.gather [hbm4b:s26+s3], $0x200, $0x38;
	[tilespmem:$0x1C900] =	vst v63  }
0x88: {  	p0 =	sne.s32 s25, $0xC40;
	_ =	swait.ge [sflag:s14], $0x200  }
0x89: {  	[sflag:s14] =	ssyncset.done $0x0  }
0x8a: {  	[sflag:s14] =	ssyncadd.s32 $0xFFFFFE00  }
0x8b: {  	[tilespmem:s15], [sflag:$0x1] =	stream.linear.gather [hbm4b:s23+s3], $0x4000, $0x38;
	[tilespmem:$0x1C900] =	vst v63  }
0x8c: {  	_ =	swait.ge [sflag:s14], $0x4000  }
0x8d: {  	[sflag:s14] =	ssyncset.done $0x0  }
0x8e: {  	[sflag:s14] =	ssyncadd.s32 $0xFFFFC000  }
0x8f: {  	[spmem:s2] =	stream.indirect.scatter.add.f32 [tilespmem:s15], [sflag:$0x1], $0x20, s3, s16, $0xb8;
	[tilespmem:$0x1C900] =	vst v63  }
0x90: {  	_ =	swait.ge [sflag:s14], $0x1000  }
0x91: {  	[sflag:s14] =	ssyncset.done $0x0  }
0x92: {  	[sflag:s14] =	ssyncadd.s32 $0xFFFFF000  }
0x93: {  	[spmem:s2] =	stream.indirect.scatter.add.f32 [tilespmem:s17], [sflag:$0x1], $0x20, s16, s16, $0xb8;
	[tilespmem:$0x1C900] =	vst v63  }
0x94: {  	_ =	swait.ge [sflag:s14], $0x1000  }
0x95: {  	[sflag:s14] =	ssyncset.done $0x0  }
0x96: {  	[sflag:s14] =	ssyncadd.s32 $0xFFFFF000  }
0x97: {  	[spmem:s2] =	stream.indirect.scatter.add.f32 [tilespmem:s19], [sflag:$0x1], $0x20, s18, s16, $0xb8;
	[tilespmem:$0x1C900] =	vst v63  }
0x98: {  	_ =	swait.ge [sflag:s14], $0x1000  }
.Ltmp1:
0x99: {  	[sflag:s14] =	ssyncset.done $0x0;
	(pc) =	sbr.rel @p0 .LBB2_4-.Ltmp1, $4  }
0x9a: {  	[sflag:s14] =	ssyncadd.s32 $0xFFFFF000  }
0x9b: {  	[spmem:s2] =	stream.indirect.scatter.add.f32 [tilespmem:s21], [sflag:$0x1], $0x20, s20, s16, $0xb8;
	[tilespmem:$0x1C900] =	vst v63  }
0x9c: {  	_ =	swait.ge [sflag:s14], $0x1000  }
0x9d: {  	s25 =	smov.u32 s28;
	s23 =	sadd.s32 $0x800, s23;
	[sflag:s14] =	ssyncset.done $0x0  }
0x9e: {  	s24 =	sadd.s32 s24, s12;
	[sflag:s14] =	ssyncadd.s32 $0xFFFFF000  }
0x9f: {  	[tilespmem:s3], [sflag:$0x1] =	stream.linear.gather [hbm4b:s24+s3], $0x200, $0x38;
	[tilespmem:$0x1C900] =	vst v63  }
0xa0: {  	_ =	swait.ge [sflag:s14], $0x200  }
0xa1: {  	[sflag:s14] =	ssyncset.done $0x0  }
0xa2: {  	[sflag:s14] =	ssyncadd.s32 $0xFFFFFE00  }
0xa3: {  	[tilespmem:s15], [sflag:$0x1] =	stream.linear.gather [hbm4b:s23+s3], $0x4000, $0x38;
	[tilespmem:$0x1C900] =	vst v63  }
0xa4: {  	_ =	swait.ge [sflag:s14], $0x4000  }
0xa5: {  	[sflag:s14] =	ssyncset.done $0x0  }
0xa6: {  	[sflag:s14] =	ssyncadd.s32 $0xFFFFC000  }
0xa7: {  	[spmem:s2] =	stream.indirect.scatter.add.f32 [tilespmem:s15], [sflag:$0x1], $0x20, s3, s16, $0xb8;
	[tilespmem:$0x1C900] =	vst v63  }
0xa8: {  	_ =	swait.ge [sflag:s14], $0x1000  }
0xa9: {  	[sflag:s14] =	ssyncset.done $0x0  }
0xaa: {  	[sflag:s14] =	ssyncadd.s32 $0xFFFFF000  }
0xab: {  	[spmem:s2] =	stream.indirect.scatter.add.f32 [tilespmem:s17], [sflag:$0x1], $0x20, s16, s16, $0xb8;
	[tilespmem:$0x1C900] =	vst v63  }
0xac: {  	_ =	swait.ge [sflag:s14], $0x1000  }
0xad: {  	[sflag:s14] =	ssyncset.done $0x0  }
0xae: {  	[sflag:s14] =	ssyncadd.s32 $0xFFFFF000  }
0xaf: {  	[spmem:s2] =	stream.indirect.scatter.add.f32 [tilespmem:s19], [sflag:$0x1], $0x20, s18, s16, $0xb8;
	[tilespmem:$0x1C900] =	vst v63  }
0xb0: {  	_ =	swait.ge [sflag:s14], $0x1000  }
0xb1: {  	[sflag:s14] =	ssyncset.done $0x0  }
0xb2: {  	[sflag:s14] =	ssyncadd.s32 $0xFFFFF000  }
0xb3: {  	[spmem:s2] =	stream.indirect.scatter.add.f32 [tilespmem:s21], [sflag:$0x1], $0x20, s20, s16, $0xb8;
	[tilespmem:$0x1C900] =	vst v63  }
0xb4: {  	_ =	swait.ge [sflag:s14], $0x1000  }
0xb5: {  	[sflag:s14] =	ssyncset.done $0x0  }
0xb6: {  	s22 =	sadd.s32 $0x1, s22;
	[sflag:s14] =	ssyncadd.s32 $0xFFFFF000  }
0xb7: {  	p0 =	sne.s32 s22, s8;
	[bflag:$0x0] =	sbarrier.arrive $0xFFFF  }
0xb8: {  	[hbm:s7], [sflag:s5] =	dma.local [spmem:s13], $0x30E0  }
.Ltmp2:
0xb9: {  	_ =	swait.ge [sflag:s14], $0x30E0;
	(pc) =	sbr.rel @p0 .LBB2_1-.Ltmp2, $3  }
0xba: {  	[sflag:s14] =	ssyncset.done $0x0  }
0xbb: {  	[sflag:s14] =	ssyncadd.s32 $0xFFFFCF20  }
0xbc: {  	[bflag:$0x0] =	sbarrier.arrive $0xFFFF;
	_ =	sdelay $0x1  }
0xbd: {  	_ =	sfence.sel $0x180000  }
0xbe: {  	[bflag:$0x0] =	sbarrier.arrive $0xFFFF  }
0xbf: {  	p0 =	sne.s32 s1, $0x0;
	_ =	strace $0x9000004A  }
0xc0: {  	s0 =	sadd.s32 @!p0 $0x100000, s0;
	[bflag:$0x2] =	sbarrier.arrive $0xFFFF  }
0xc1: {  	[sflag:s0] =	ssyncadd.tile.s32 @!p0 $0x1;
	_ =	shalt  }
.Lfunc_end2:
_tile_overlayer_lowered:
.L_overlay_start_2:
0xc2: {  	(tag) =	ssettag $0x2  }
0xc3: {  	s0 =	rddreg [dreg:$0x0];
	s2 =	stileid.u32  }
0xc4: {  	s1 =	rddreg [dreg:$0x1];
	p0 =	sne.s32 s2, $0x0  }
0xc5: {  	s3 =	rddreg [dreg:$0x2];
	[bflag:$0x3] =	sbarrier.arrive $0xFFFF;
	s2 =	simm.s32 @!p0 $0x1C01  }
0xc6: {  	[timem:s3], [sflag:s2] =	dma.local @!p0 [hbm:s0], s1  }
0xc7: {  	s0 =	simm.s32 @!p0 $0x1  }
0xc8: {  	_ =	swait.ge @!p0 [sflag:s0], s1  }
0xc9: {  	s1 =	ssub.s32 @!p0 $0x0, s1;
	[sflag:s0] =	ssyncset.done @!p0 $0x0  }
0xca: {  	[sflag:s0] =	ssyncadd.s32 @!p0 s1  }
0xcb: {  	[bflag:$0x3] =	sbarrier.arrive $0xFFFF  }
0xcc: {  	_ =	shalt  }

</sc_bundles>
